<compile_context>
chip_gen: v7x
topology: tpu7x:2x2x1
jax: 0.10.2.dev20260603
libtpu: 0.0.44.dev20260713+nightly
codegen_flags: <defaults>
</compile_context>

<pallas_src>
import functools

import jax
import jax.numpy as jnp
from jax import lax
from jax.experimental import pallas as pl
from jax.experimental.pallas import tpu as pltpu
from jax.experimental.pallas import tpu_sc as plsc

N = 10000
D = 128
E = 320000

NW = 32
B = 128
NP = 10240
EP = ((E + NW * B - 1) // (NW * B)) * (NW * B)
EPW = EP // NW
NBATCH = EPW // B
ROWS_PER_TILE = NP // 16

_mesh = plsc.VectorSubcoreMesh(core_axis_name="c", subcore_axis_name="s")


@functools.partial(
    pl.kernel,
    mesh=_mesh,
    out_type=jax.ShapeDtypeStruct((2 * NP,), jnp.float32),
    scratch_types=[
        pltpu.VMEM((B,), jnp.int32),
        pltpu.VMEM((B,), jnp.float32),
        pltpu.VMEM_SHARED((NP,), jnp.float32),
    ],
)
def _sc_deg(dst_hbm, zeros_hbm, out_hbm, dst_v, ones_v, deg_sh):
    c = lax.axis_index("c")
    s = lax.axis_index("s")
    for i in range(B // 16):
        ones_v[pl.ds(i * 16, 16)] = jnp.ones((16,), jnp.float32)
    pltpu.sync_copy(zeros_hbm.at[pl.ds(0, ROWS_PER_TILE)],
                    deg_sh.at[pl.ds(s * ROWS_PER_TILE, ROWS_PER_TILE)])
    plsc.subcore_barrier()
    base = (c * 16 + s) * EPW

    def body(i, carry):
        off = pl.multiple_of(base + i * B, B)
        pltpu.sync_copy(dst_hbm.at[pl.ds(off, B)], dst_v)
        pltpu.sync_copy(ones_v, deg_sh.at[dst_v], add=True)
        return carry

    lax.fori_loop(0, NBATCH, body, 0)
    plsc.subcore_barrier()
    out_off = pl.multiple_of(c * NP + s * ROWS_PER_TILE, ROWS_PER_TILE)
    pltpu.sync_copy(deg_sh.at[pl.ds(s * ROWS_PER_TILE, ROWS_PER_TILE)],
                    out_hbm.at[pl.ds(out_off, ROWS_PER_TILE)])


@functools.partial(
    pl.kernel,
    mesh=_mesh,
    out_type=jax.ShapeDtypeStruct((2 * NP, D), jnp.float32),
    scratch_types=[
        pltpu.VMEM((B,), jnp.int32),
        pltpu.VMEM((B,), jnp.int32),
        pltpu.VMEM((B, D), jnp.float32),
        pltpu.VMEM_SHARED((NP, D), jnp.float32),
        pltpu.SemaphoreType.DMA,
    ],
)
def _sc_agg(tab_hbm, src_hbm, dst_hbm, zrows_hbm, out_hbm,
            src_v, dst_v, rows_v, acc_sh, sem):
    c = lax.axis_index("c")
    s = lax.axis_index("s")
    pltpu.sync_copy(zrows_hbm.at[pl.ds(0, ROWS_PER_TILE)],
                    acc_sh.at[pl.ds(s * ROWS_PER_TILE, ROWS_PER_TILE)])
    plsc.subcore_barrier()
    base = (c * 16 + s) * EPW

    def body(i, carry):
        off = pl.multiple_of(base + i * B, B)
        pltpu.sync_copy(src_hbm.at[pl.ds(off, B)], src_v)
        pltpu.sync_copy(dst_hbm.at[pl.ds(off, B)], dst_v)
        pltpu.async_copy(tab_hbm.at[src_v], rows_v, sem).wait()
        pltpu.sync_copy(rows_v, acc_sh.at[dst_v], add=True)
        return carry

    lax.fori_loop(0, NBATCH, body, 0)
    plsc.subcore_barrier()
    out_off = pl.multiple_of(c * NP + s * ROWS_PER_TILE, ROWS_PER_TILE)
    pltpu.sync_copy(acc_sh.at[pl.ds(s * ROWS_PER_TILE, ROWS_PER_TILE)],
                    out_hbm.at[pl.ds(out_off, ROWS_PER_TILE)])


_BM = 1024


def _tc_layer1(x_pad, W1, d0, d1):
    def body(x_ref, w_ref, d0_ref, d1_ref, g_ref, dis_ref):
        deg = d0_ref[...] + d1_ref[...] + 1.0
        dis = lax.rsqrt(deg)
        h = jnp.dot(x_ref[...], w_ref[...], preferred_element_type=jnp.float32)
        g_ref[...] = h * dis
        dis_ref[...] = dis

    return pl.pallas_call(
        body,
        grid=(NP // _BM,),
        in_specs=[
            pl.BlockSpec((_BM, D), lambda m: (m, 0)),
            pl.BlockSpec((D, D), lambda m: (0, 0)),
            pl.BlockSpec((_BM, 1), lambda m: (m, 0)),
            pl.BlockSpec((_BM, 1), lambda m: (m, 0)),
        ],
        out_specs=[
            pl.BlockSpec((_BM, D), lambda m: (m, 0)),
            pl.BlockSpec((_BM, 1), lambda m: (m, 0)),
        ],
        out_shape=[
            jax.ShapeDtypeStruct((NP, D), jnp.float32),
            jax.ShapeDtypeStruct((NP, 1), jnp.float32),
        ],
    )(x_pad, W1, d0, d1)


def _tc_layer2(p0, p1, g1, dis, b1, W2):
    def body(p0_ref, p1_ref, g_ref, dis_ref, b_ref, w_ref, g2_ref):
        dis = dis_ref[...]
        pre = dis * (p0_ref[...] + p1_ref[...] + g_ref[...]) + b_ref[...]
        h = jnp.maximum(pre, 0.0)
        g2_ref[...] = dis * jnp.dot(h, w_ref[...],
                                    preferred_element_type=jnp.float32)

    return pl.pallas_call(
        body,
        grid=(NP // _BM,),
        in_specs=[
            pl.BlockSpec((_BM, D), lambda m: (m, 0)),
            pl.BlockSpec((_BM, D), lambda m: (m, 0)),
            pl.BlockSpec((_BM, D), lambda m: (m, 0)),
            pl.BlockSpec((_BM, 1), lambda m: (m, 0)),
            pl.BlockSpec((1, D), lambda m: (0, 0)),
            pl.BlockSpec((D, D), lambda m: (0, 0)),
        ],
        out_specs=pl.BlockSpec((_BM, D), lambda m: (m, 0)),
        out_shape=jax.ShapeDtypeStruct((NP, D), jnp.float32),
    )(p0, p1, g1, dis, b1, W2)


def _tc_epilogue(q0, q1, g2, dis, b2):
    def body(q0_ref, q1_ref, g_ref, dis_ref, b_ref, o_ref):
        o_ref[...] = (dis_ref[...] * (q0_ref[...] + q1_ref[...] + g_ref[...])
                      + b_ref[...])

    return pl.pallas_call(
        body,
        grid=(NP // _BM,),
        in_specs=[
            pl.BlockSpec((_BM, D), lambda m: (m, 0)),
            pl.BlockSpec((_BM, D), lambda m: (m, 0)),
            pl.BlockSpec((_BM, D), lambda m: (m, 0)),
            pl.BlockSpec((_BM, 1), lambda m: (m, 0)),
            pl.BlockSpec((1, D), lambda m: (0, 0)),
        ],
        out_specs=pl.BlockSpec((_BM, D), lambda m: (m, 0)),
        out_shape=jax.ShapeDtypeStruct((NP, D), jnp.float32),
    )(q0, q1, g2, dis, b2)


def kernel(x, edge_index, W1, b1, W2, b2):
    pad_e = EP - E
    src = jnp.concatenate([edge_index[0], jnp.zeros((pad_e,), jnp.int32)])
    dst = jnp.concatenate([edge_index[1], jnp.full((pad_e,), N, jnp.int32)])
    x_pad = jnp.pad(x, ((0, NP - N), (0, 0)))
    zvec = jnp.zeros((ROWS_PER_TILE,), jnp.float32)
    zrows = jnp.zeros((ROWS_PER_TILE, D), jnp.float32)

    degp = _sc_deg(dst, zvec)
    d0 = degp[:NP].reshape(NP, 1)
    d1 = degp[NP:].reshape(NP, 1)

    g1, dis = _tc_layer1(x_pad, W1, d0, d1)

    agg1 = _sc_agg(g1, src, dst, zrows)
    g2 = _tc_layer2(agg1[:NP], agg1[NP:], g1, dis, b1.reshape(1, D), W2)

    agg2 = _sc_agg(g2, src, dst, zrows)
    out = _tc_epilogue(agg2[:NP], agg2[NP:], g2, dis, b2.reshape(1, D))
    return out[:N]

# --- scband reference (transcript-rebuilt; emitter-appended) ---
"""Pipeline reference for scband-gcnencoder-24318104830702 (READ-ONLY COPY).

The authoritative reference and input builder live on the scoring server;
editing this copy changes nothing except your own understanding.
"""

import jax, jax.numpy as jnp
import numpy as np

N = 10000
E = 320000
D_IN = 128
D_HID = 128
D_OUT = 128


def setup_inputs(seed: int = 0) -> dict:
    key = jax.random.key(seed)
    k1, k2, k3, k4, k5, k6 = jax.random.split(key, 6)
    x = jax.random.normal(k1, (N, D_IN), dtype=jnp.float32)
    edge_index = jax.random.randint(k2, (2, E), 0, N, dtype=jnp.int32)
    # Glorot-style init for GCN weights
    s1 = (6.0 / (D_IN + D_HID)) ** 0.5
    s2 = (6.0 / (D_HID + D_OUT)) ** 0.5
    W1 = jax.random.uniform(k3, (D_IN, D_HID), dtype=jnp.float32, minval=-s1, maxval=s1)
    b1 = jnp.zeros((D_HID,), dtype=jnp.float32)
    W2 = jax.random.uniform(k4, (D_HID, D_OUT), dtype=jnp.float32, minval=-s2, maxval=s2)
    b2 = jnp.zeros((D_OUT,), dtype=jnp.float32)
    return {"x": x, "edge_index": edge_index, "W1": W1, "b1": b1, "W2": W2, "b2": b2}


def _gcn_layer(x, src, dst, norm, W, b):
    # x @ W, gather on src, scale by sym-norm, scatter-add on dst, + bias
    h = x @ W
    msg = h[src] * norm[:, None]
    out = jnp.zeros((x.shape[0], W.shape[1]), dtype=x.dtype).at[dst].add(msg)
    return out + b


def reference(x, edge_index, W1, b1, W2, b2):
    n = x.shape[0]
    self_loops = jnp.arange(n, dtype=edge_index.dtype)
    src = jnp.concatenate([edge_index[0], self_loops])
    dst = jnp.concatenate([edge_index[1], self_loops])
    # symmetric normalization deg^-1/2 (degree computed on dst, incl. self loops)
    deg = jnp.zeros((n,), dtype=x.dtype).at[dst].add(1.0)
    dis = jnp.where(deg > 0, deg ** -0.5, 0.0)
    norm = dis[src] * dis[dst]
    h = _gcn_layer(x, src, dst, norm, W1, b1)
    h = jax.nn.relu(h)
    # dropout is identity in eval mode
    out = _gcn_layer(h, src, dst, norm, W2, b2)
    return out

if __name__ == "__main__":
    import jax
    _d = setup_inputs()
    print(jax.jit(kernel)(*tuple(_d.values())))

</pallas_src>

<mosaic_0001>
#map = affine_map<(d0, d1) -> (0, 0)>
#map1 = affine_map<(d0, d1) -> (0)>
module attributes {stable_mosaic.version = 14 : i64} {
  func.func @_sc_agg(%arg0: i32, %arg1: i32, %arg2: memref<10240x128xf32, #tpu.memory_space<hbm>>, %arg3: memref<323584xi32, #tpu.memory_space<hbm>>, %arg4: memref<323584xi32, #tpu.memory_space<hbm>>, %arg5: memref<640x128xf32, #tpu.memory_space<hbm>>, %arg6: memref<20480x128xf32, #tpu.memory_space<hbm>>, %arg7: memref<128xi32, #tpu.memory_space<vmem>>, %arg8: memref<128xi32, #tpu.memory_space<vmem>>, %arg9: memref<128x128xf32, #tpu.memory_space<vmem>>, %arg10: memref<10240x128xf32, #tpu.memory_space<vmem_shared>>, %arg11: memref<!tpu.dma_semaphore, #tpu.memory_space<semaphore_mem>>) attributes {dimension_semantics = [#tpu.dimension_semantics<core_parallel>, #tpu.dimension_semantics<subcore_parallel>], iteration_bounds = array<i64: 2, 16>, scalar_prefetch = 0 : i64, scratch_operands = 5 : i64, tpu.core_type = #tpu.core_type<sc_vector_subcore>, window_params = [{transform_indices = #map}, {transform_indices = #map1}, {transform_indices = #map1}, {transform_indices = #map}, {transform_indices = #map}]} {
    %mul3A = arith.constant 640 : i32
    %mul3A_0 = arith.muli %arg1, %mul3A : i32
    "tpu.region"() ({
      %run_scoped3A = tpu.sem_alloc : memref<!tpu.dma_semaphore, #tpu.memory_space<semaphore_mem>>
      %dma_start3A = arith.constant 0 : i32
      %dma_start3A_18 = tpu.memref_slice %arg10[%mul3A_0, %dma_start3A] : memref<10240x128xf32, #tpu.memory_space<vmem_shared>> -> memref<640x128xf32, #tpu.memory_space<vmem_shared>>
      %dma_start3A_19 = arith.constant 0 : i32
      %dma_start3A_20 = arith.constant 0 : i32
      %dma_start3A_21 = tpu.memref_slice %arg5[%dma_start3A_19, %dma_start3A_20] : memref<640x128xf32, #tpu.memory_space<hbm>> -> memref<640x128xf32, #tpu.memory_space<hbm>>
      tpu.enqueue_dma source(%dma_start3A_21 : memref<640x128xf32, #tpu.memory_space<hbm>>) target(%dma_start3A_18 : memref<640x128xf32, #tpu.memory_space<vmem_shared>>) target_semaphore(%run_scoped3A : memref<!tpu.dma_semaphore, #tpu.memory_space<semaphore_mem>>)
      %dma_wait3A = arith.constant 0 : i32
      %dma_wait3A_22 = tpu.memref_slice %arg10[%mul3A_0, %dma_wait3A] : memref<10240x128xf32, #tpu.memory_space<vmem_shared>> -> memref<640x128xf32, #tpu.memory_space<vmem_shared>>
      %dma_wait3A_23 = arith.constant 0 : i32
      %dma_wait3A_24 = arith.constant 0 : i32
      %dma_wait3A_25 = tpu.memref_slice %arg5[%dma_wait3A_23, %dma_wait3A_24] : memref<640x128xf32, #tpu.memory_space<hbm>> -> memref<640x128xf32, #tpu.memory_space<hbm>>
      tpu.wait_dma2 semaphore(%run_scoped3A : memref<!tpu.dma_semaphore, #tpu.memory_space<semaphore_mem>>) src(%dma_wait3A_25 : memref<640x128xf32, #tpu.memory_space<hbm>>) dst(%dma_wait3A_22 : memref<640x128xf32, #tpu.memory_space<vmem_shared>>)
      tpu.yield
    }) : () -> ()
    %barrier3A = arith.constant 0 : index
    tpu.barrier barrier_id(%barrier3A)
    %mul3A_1 = arith.constant 16 : i32
    %mul3A_2 = arith.muli %arg0, %mul3A_1 : i32
    %add3A = arith.addi %mul3A_2, %arg1 : i32
    %mul3A_3 = arith.constant 10112 : i32
    %mul3A_4 = arith.muli %add3A, %mul3A_3 : i32
    %scan3A = arith.constant 0 : i32
    %scan3A_5 = arith.constant 0 : i32
    %scan3A_6 = arith.constant 79 : i32
    %scan3A_7 = arith.addi %scan3A_5, %scan3A_6 : i32
    %scan3A_8 = arith.constant 1 : i32
    scf.for %scan3A_18 = %scan3A_5 to %scan3A_7 step %scan3A_8  : i32 {
      %mul3A_19 = arith.constant 128 : i32
      %mul3A_20 = arith.muli %scan3A_18, %mul3A_19 : i32
      %add3A_21 = arith.addi %mul3A_4, %mul3A_20 : i32
      %multiple_of3A_22 = tpu.assume_multiple %add3A_21, 128 : i32
      "tpu.region"() ({
        %run_scoped3A = tpu.sem_alloc : memref<!tpu.dma_semaphore, #tpu.memory_space<semaphore_mem>>
        %dma_start3A_27 = tpu.memref_slice %arg3[%multiple_of3A_22] : memref<323584xi32, #tpu.memory_space<hbm>> -> memref<128xi32, #tpu.memory_space<hbm>>
        %dma_start3A_28 = tpu.memref_slice %arg3[%multiple_of3A_22] : memref<323584xi32, #tpu.memory_space<hbm>> -> memref<128xi32, #tpu.memory_space<hbm>>
        tpu.enqueue_dma source(%dma_start3A_28 : memref<128xi32, #tpu.memory_space<hbm>>) target(%arg7 : memref<128xi32, #tpu.memory_space<vmem>>) target_semaphore(%run_scoped3A : memref<!tpu.dma_semaphore, #tpu.memory_space<semaphore_mem>>)
        %dma_wait3A_29 = tpu.memref_slice %arg3[%multiple_of3A_22] : memref<323584xi32, #tpu.memory_space<hbm>> -> memref<128xi32, #tpu.memory_space<hbm>>
        %dma_wait3A_30 = tpu.memref_slice %arg3[%multiple_of3A_22] : memref<323584xi32, #tpu.memory_space<hbm>> -> memref<128xi32, #tpu.memory_space<hbm>>
        tpu.wait_dma2 semaphore(%run_scoped3A : memref<!tpu.dma_semaphore, #tpu.memory_space<semaphore_mem>>) src(%dma_wait3A_30 : memref<128xi32, #tpu.memory_space<hbm>>) dst(%arg7 : memref<128xi32, #tpu.memory_space<vmem>>)
        tpu.yield
      }) : () -> ()
      "tpu.region"() ({
        %run_scoped3A = tpu.sem_alloc : memref<!tpu.dma_semaphore, #tpu.memory_space<semaphore_mem>>
        %dma_start3A_27 = tpu.memref_slice %arg4[%multiple_of3A_22] : memref<323584xi32, #tpu.memory_space<hbm>> -> memref<128xi32, #tpu.memory_space<hbm>>
        %dma_start3A_28 = tpu.memref_slice %arg4[%multiple_of3A_22] : memref<323584xi32, #tpu.memory_space<hbm>> -> memref<128xi32, #tpu.memory_space<hbm>>
        tpu.enqueue_dma source(%dma_start3A_28 : memref<128xi32, #tpu.memory_space<hbm>>) target(%arg8 : memref<128xi32, #tpu.memory_space<vmem>>) target_semaphore(%run_scoped3A : memref<!tpu.dma_semaphore, #tpu.memory_space<semaphore_mem>>)
        %dma_wait3A_29 = tpu.memref_slice %arg4[%multiple_of3A_22] : memref<323584xi32, #tpu.memory_space<hbm>> -> memref<128xi32, #tpu.memory_space<hbm>>
        %dma_wait3A_30 = tpu.memref_slice %arg4[%multiple_of3A_22] : memref<323584xi32, #tpu.memory_space<hbm>> -> memref<128xi32, #tpu.memory_space<hbm>>
        tpu.wait_dma2 semaphore(%run_scoped3A : memref<!tpu.dma_semaphore, #tpu.memory_space<semaphore_mem>>) src(%dma_wait3A_30 : memref<128xi32, #tpu.memory_space<hbm>>) dst(%arg8 : memref<128xi32, #tpu.memory_space<vmem>>)
        tpu.yield
      }) : () -> ()
      %dma_start3A = arith.constant 0 : i32
      %dma_start3A_23 = arith.constant 0 : i32
      %dma_start3A_24 = tpu.memref_slice %arg2[%dma_start3A, %dma_start3A_23] : memref<10240x128xf32, #tpu.memory_space<hbm>> -> memref<10240x128xf32, #tpu.memory_space<hbm>>
      tpu.enqueue_indirect_dma source(%dma_start3A_24 : memref<10240x128xf32, #tpu.memory_space<hbm>>) target(%arg9 : memref<128x128xf32, #tpu.memory_space<vmem>>) offsets(%arg7 : memref<128xi32, #tpu.memory_space<vmem>>) semaphore(%arg11 : memref<!tpu.dma_semaphore, #tpu.memory_space<semaphore_mem>>)
      %dma_wait3A = arith.constant 0 : i32
      %dma_wait3A_25 = arith.constant 0 : i32
      %dma_wait3A_26 = tpu.memref_slice %arg2[%dma_wait3A, %dma_wait3A_25] : memref<10240x128xf32, #tpu.memory_space<hbm>> -> memref<10240x128xf32, #tpu.memory_space<hbm>>
      tpu.wait_indirect_dma semaphore(%arg11 : memref<!tpu.dma_semaphore, #tpu.memory_space<semaphore_mem>>) src(%dma_wait3A_26 : memref<10240x128xf32, #tpu.memory_space<hbm>>) dst(%arg9 : memref<128x128xf32, #tpu.memory_space<vmem>>)
      "tpu.region"() ({
        %run_scoped3A = tpu.sem_alloc : memref<!tpu.dma_semaphore, #tpu.memory_space<semaphore_mem>>
        %dma_start3A_27 = arith.constant 0 : i32
        %dma_start3A_28 = arith.constant 0 : i32
        %dma_start3A_29 = tpu.memref_slice %arg10[%dma_start3A_27, %dma_start3A_28] : memref<10240x128xf32, #tpu.memory_space<vmem_shared>> -> memref<10240x128xf32, #tpu.memory_space<vmem_shared>>
        tpu.enqueue_indirect_dma source(%arg9 : memref<128x128xf32, #tpu.memory_space<vmem>>) target(%dma_start3A_29 : memref<10240x128xf32, #tpu.memory_space<vmem_shared>>) offsets(%arg8 : memref<128xi32, #tpu.memory_space<vmem>>) semaphore(%run_scoped3A : memref<!tpu.dma_semaphore, #tpu.memory_space<semaphore_mem>>) {add = true}
        %dma_wait3A_30 = arith.constant 0 : i32
        %dma_wait3A_31 = arith.constant 0 : i32
        %dma_wait3A_32 = tpu.memref_slice %arg10[%dma_wait3A_30, %dma_wait3A_31] : memref<10240x128xf32, #tpu.memory_space<vmem_shared>> -> memref<10240x128xf32, #tpu.memory_space<vmem_shared>>
        tpu.wait_indirect_dma semaphore(%run_scoped3A : memref<!tpu.dma_semaphore, #tpu.memory_space<semaphore_mem>>) src(%arg9 : memref<128x128xf32, #tpu.memory_space<vmem>>) dst(%dma_wait3A_32 : memref<10240x128xf32, #tpu.memory_space<vmem_shared>>)
        tpu.yield
      }) : () -> ()
    }
    %scan3A_9 = arith.constant 79 : i32
    %barrier3A_10 = arith.constant 0 : index
    tpu.barrier barrier_id(%barrier3A_10)
    %mul3A_11 = arith.constant 10240 : i32
    %mul3A_12 = arith.muli %arg0, %mul3A_11 : i32
    %mul3A_13 = arith.constant 640 : i32
    %mul3A_14 = arith.muli %arg1, %mul3A_13 : i32
    %add3A_15 = arith.addi %mul3A_12, %mul3A_14 : i32
    %multiple_of3A = tpu.assume_multiple %add3A_15, 640 : i32
    %mul3A_16 = arith.constant 640 : i32
    %mul3A_17 = arith.muli %arg1, %mul3A_16 : i32
    "tpu.region"() ({
      %run_scoped3A = tpu.sem_alloc : memref<!tpu.dma_semaphore, #tpu.memory_space<semaphore_mem>>
      %dma_start3A = arith.constant 0 : i32
      %dma_start3A_18 = tpu.memref_slice %arg6[%multiple_of3A, %dma_start3A] : memref<20480x128xf32, #tpu.memory_space<hbm>> -> memref<640x128xf32, #tpu.memory_space<hbm>>
      %dma_start3A_19 = arith.constant 0 : i32
      %dma_start3A_20 = tpu.memref_slice %arg10[%mul3A_17, %dma_start3A_19] : memref<10240x128xf32, #tpu.memory_space<vmem_shared>> -> memref<640x128xf32, #tpu.memory_space<vmem_shared>>
      tpu.enqueue_dma source(%dma_start3A_20 : memref<640x128xf32, #tpu.memory_space<vmem_shared>>) target(%dma_start3A_18 : memref<640x128xf32, #tpu.memory_space<hbm>>) target_semaphore(%run_scoped3A : memref<!tpu.dma_semaphore, #tpu.memory_space<semaphore_mem>>)
      %dma_wait3A = arith.constant 0 : i32
      %dma_wait3A_21 = tpu.memref_slice %arg6[%multiple_of3A, %dma_wait3A] : memref<20480x128xf32, #tpu.memory_space<hbm>> -> memref<640x128xf32, #tpu.memory_space<hbm>>
      %dma_wait3A_22 = arith.constant 0 : i32
      %dma_wait3A_23 = tpu.memref_slice %arg10[%mul3A_17, %dma_wait3A_22] : memref<10240x128xf32, #tpu.memory_space<vmem_shared>> -> memref<640x128xf32, #tpu.memory_space<vmem_shared>>
      tpu.wait_dma2 semaphore(%run_scoped3A : memref<!tpu.dma_semaphore, #tpu.memory_space<semaphore_mem>>) src(%dma_wait3A_23 : memref<640x128xf32, #tpu.memory_space<vmem_shared>>) dst(%dma_wait3A_21 : memref<640x128xf32, #tpu.memory_space<hbm>>)
      tpu.yield
    }) : () -> ()
    return
  }
}

#map = affine_map<(d0, d1) -> (0, 0)>
#map1 = affine_map<(d0, d1) -> (0)>
module attributes {stable_mosaic.version = 14 : i64} {
  func.func @_sc_agg(%arg0: i32, %arg1: i32, %arg2: memref<10240x128xf32, #tpu.memory_space<hbm>>, %arg3: memref<323584xi32, #tpu.memory_space<hbm>>, %arg4: memref<323584xi32, #tpu.memory_space<hbm>>, %arg5: memref<640x128xf32, #tpu.memory_space<hbm>>, %arg6: memref<20480x128xf32, #tpu.memory_space<hbm>>, %arg7: memref<128xi32, #tpu.memory_space<vmem>>, %arg8: memref<128xi32, #tpu.memory_space<vmem>>, %arg9: memref<128x128xf32, #tpu.memory_space<vmem>>, %arg10: memref<10240x128xf32, #tpu.memory_space<vmem_shared>>, %arg11: memref<!tpu.dma_semaphore, #tpu.memory_space<semaphore_mem>>) attributes {dimension_semantics = [#tpu.dimension_semantics<core_parallel>, #tpu.dimension_semantics<subcore_parallel>], iteration_bounds = array<i64: 2, 16>, scalar_prefetch = 0 : i64, scratch_operands = 5 : i64, tpu.core_type = #tpu.core_type<sc_vector_subcore>, window_params = [{transform_indices = #map}, {transform_indices = #map1}, {transform_indices = #map1}, {transform_indices = #map}, {transform_indices = #map}]} {
    %mul3A = arith.constant 640 : i32
    %mul3A_0 = arith.muli %arg1, %mul3A : i32
    "tpu.region"() ({
      %run_scoped3A = tpu.sem_alloc : memref<!tpu.dma_semaphore, #tpu.memory_space<semaphore_mem>>
      %dma_start3A = arith.constant 0 : i32
      %dma_start3A_18 = tpu.memref_slice %arg10[%mul3A_0, %dma_start3A] : memref<10240x128xf32, #tpu.memory_space<vmem_shared>> -> memref<640x128xf32, #tpu.memory_space<vmem_shared>>
      %dma_start3A_19 = arith.constant 0 : i32
      %dma_start3A_20 = arith.constant 0 : i32
      %dma_start3A_21 = tpu.memref_slice %arg5[%dma_start3A_19, %dma_start3A_20] : memref<640x128xf32, #tpu.memory_space<hbm>> -> memref<640x128xf32, #tpu.memory_space<hbm>>
      tpu.enqueue_dma source(%dma_start3A_21 : memref<640x128xf32, #tpu.memory_space<hbm>>) target(%dma_start3A_18 : memref<640x128xf32, #tpu.memory_space<vmem_shared>>) target_semaphore(%run_scoped3A : memref<!tpu.dma_semaphore, #tpu.memory_space<semaphore_mem>>)
      %dma_wait3A = arith.constant 0 : i32
      %dma_wait3A_22 = tpu.memref_slice %arg10[%mul3A_0, %dma_wait3A] : memref<10240x128xf32, #tpu.memory_space<vmem_shared>> -> memref<640x128xf32, #tpu.memory_space<vmem_shared>>
      %dma_wait3A_23 = arith.constant 0 : i32
      %dma_wait3A_24 = arith.constant 0 : i32
      %dma_wait3A_25 = tpu.memref_slice %arg5[%dma_wait3A_23, %dma_wait3A_24] : memref<640x128xf32, #tpu.memory_space<hbm>> -> memref<640x128xf32, #tpu.memory_space<hbm>>
      tpu.wait_dma2 semaphore(%run_scoped3A : memref<!tpu.dma_semaphore, #tpu.memory_space<semaphore_mem>>) src(%dma_wait3A_25 : memref<640x128xf32, #tpu.memory_space<hbm>>) dst(%dma_wait3A_22 : memref<640x128xf32, #tpu.memory_space<vmem_shared>>)
      tpu.yield
    }) : () -> ()
    %barrier3A = arith.constant 0 : index
    tpu.barrier barrier_id(%barrier3A)
    %mul3A_1 = arith.constant 16 : i32
    %mul3A_2 = arith.muli %arg0, %mul3A_1 : i32
    %add3A = arith.addi %mul3A_2, %arg1 : i32
    %mul3A_3 = arith.constant 10112 : i32
    %mul3A_4 = arith.muli %add3A, %mul3A_3 : i32
    %scan3A = arith.constant 0 : i32
    %scan3A_5 = arith.constant 0 : i32
    %scan3A_6 = arith.constant 79 : i32
    %scan3A_7 = arith.addi %scan3A_5, %scan3A_6 : i32
    %scan3A_8 = arith.constant 1 : i32
    scf.for %scan3A_18 = %scan3A_5 to %scan3A_7 step %scan3A_8  : i32 {
      %mul3A_19 = arith.constant 128 : i32
      %mul3A_20 = arith.muli %scan3A_18, %mul3A_19 : i32
      %add3A_21 = arith.addi %mul3A_4, %mul3A_20 : i32
      %multiple_of3A_22 = tpu.assume_multiple %add3A_21, 128 : i32
      "tpu.region"() ({
        %run_scoped3A = tpu.sem_alloc : memref<!tpu.dma_semaphore, #tpu.memory_space<semaphore_mem>>
        %dma_start3A_27 = tpu.memref_slice %arg3[%multiple_of3A_22] : memref<323584xi32, #tpu.memory_space<hbm>> -> memref<128xi32, #tpu.memory_space<hbm>>
        %dma_start3A_28 = tpu.memref_slice %arg3[%multiple_of3A_22] : memref<323584xi32, #tpu.memory_space<hbm>> -> memref<128xi32, #tpu.memory_space<hbm>>
        tpu.enqueue_dma source(%dma_start3A_28 : memref<128xi32, #tpu.memory_space<hbm>>) target(%arg7 : memref<128xi32, #tpu.memory_space<vmem>>) target_semaphore(%run_scoped3A : memref<!tpu.dma_semaphore, #tpu.memory_space<semaphore_mem>>)
        %dma_wait3A_29 = tpu.memref_slice %arg3[%multiple_of3A_22] : memref<323584xi32, #tpu.memory_space<hbm>> -> memref<128xi32, #tpu.memory_space<hbm>>
        %dma_wait3A_30 = tpu.memref_slice %arg3[%multiple_of3A_22] : memref<323584xi32, #tpu.memory_space<hbm>> -> memref<128xi32, #tpu.memory_space<hbm>>
        tpu.wait_dma2 semaphore(%run_scoped3A : memref<!tpu.dma_semaphore, #tpu.memory_space<semaphore_mem>>) src(%dma_wait3A_30 : memref<128xi32, #tpu.memory_space<hbm>>) dst(%arg7 : memref<128xi32, #tpu.memory_space<vmem>>)
        tpu.yield
      }) : () -> ()
      "tpu.region"() ({
        %run_scoped3A = tpu.sem_alloc : memref<!tpu.dma_semaphore, #tpu.memory_space<semaphore_mem>>
        %dma_start3A_27 = tpu.memref_slice %arg4[%multiple_of3A_22] : memref<323584xi32, #tpu.memory_space<hbm>> -> memref<128xi32, #tpu.memory_space<hbm>>
        %dma_start3A_28 = tpu.memref_slice %arg4[%multiple_of3A_22] : memref<323584xi32, #tpu.memory_space<hbm>> -> memref<128xi32, #tpu.memory_space<hbm>>
        tpu.enqueue_dma source(%dma_start3A_28 : memref<128xi32, #tpu.memory_space<hbm>>) target(%arg8 : memref<128xi32, #tpu.memory_space<vmem>>) target_semaphore(%run_scoped3A : memref<!tpu.dma_semaphore, #tpu.memory_space<semaphore_mem>>)
        %dma_wait3A_29 = tpu.memref_slice %arg4[%multiple_of3A_22] : memref<323584xi32, #tpu.memory_space<hbm>> -> memref<128xi32, #tpu.memory_space<hbm>>
        %dma_wait3A_30 = tpu.memref_slice %arg4[%multiple_of3A_22] : memref<323584xi32, #tpu.memory_space<hbm>> -> memref<128xi32, #tpu.memory_space<hbm>>
        tpu.wait_dma2 semaphore(%run_scoped3A : memref<!tpu.dma_semaphore, #tpu.memory_space<semaphore_mem>>) src(%dma_wait3A_30 : memref<128xi32, #tpu.memory_space<hbm>>) dst(%arg8 : memref<128xi32, #tpu.memory_space<vmem>>)
        tpu.yield
      }) : () -> ()
      %dma_start3A = arith.constant 0 : i32
      %dma_start3A_23 = arith.constant 0 : i32
      %dma_start3A_24 = tpu.memref_slice %arg2[%dma_start3A, %dma_start3A_23] : memref<10240x128xf32, #tpu.memory_space<hbm>> -> memref<10240x128xf32, #tpu.memory_space<hbm>>
      tpu.enqueue_indirect_dma source(%dma_start3A_24 : memref<10240x128xf32, #tpu.memory_space<hbm>>) target(%arg9 : memref<128x128xf32, #tpu.memory_space<vmem>>) offsets(%arg7 : memref<128xi32, #tpu.memory_space<vmem>>) semaphore(%arg11 : memref<!tpu.dma_semaphore, #tpu.memory_space<semaphore_mem>>)
      %dma_wait3A = arith.constant 0 : i32
      %dma_wait3A_25 = arith.constant 0 : i32
      %dma_wait3A_26 = tpu.memref_slice %arg2[%dma_wait3A, %dma_wait3A_25] : memref<10240x128xf32, #tpu.memory_space<hbm>> -> memref<10240x128xf32, #tpu.memory_space<hbm>>
      tpu.wait_indirect_dma semaphore(%arg11 : memref<!tpu.dma_semaphore, #tpu.memory_space<semaphore_mem>>) src(%dma_wait3A_26 : memref<10240x128xf32, #tpu.memory_space<hbm>>) dst(%arg9 : memref<128x128xf32, #tpu.memory_space<vmem>>)
      "tpu.region"() ({
        %run_scoped3A = tpu.sem_alloc : memref<!tpu.dma_semaphore, #tpu.memory_space<semaphore_mem>>
        %dma_start3A_27 = arith.constant 0 : i32
        %dma_start3A_28 = arith.constant 0 : i32
        %dma_start3A_29 = tpu.memref_slice %arg10[%dma_start3A_27, %dma_start3A_28] : memref<10240x128xf32, #tpu.memory_space<vmem_shared>> -> memref<10240x128xf32, #tpu.memory_space<vmem_shared>>
        tpu.enqueue_indirect_dma source(%arg9 : memref<128x128xf32, #tpu.memory_space<vmem>>) target(%dma_start3A_29 : memref<10240x128xf32, #tpu.memory_space<vmem_shared>>) offsets(%arg8 : memref<128xi32, #tpu.memory_space<vmem>>) semaphore(%run_scoped3A : memref<!tpu.dma_semaphore, #tpu.memory_space<semaphore_mem>>) {add = true}
        %dma_wait3A_30 = arith.constant 0 : i32
        %dma_wait3A_31 = arith.constant 0 : i32
        %dma_wait3A_32 = tpu.memref_slice %arg10[%dma_wait3A_30, %dma_wait3A_31] : memref<10240x128xf32, #tpu.memory_space<vmem_shared>> -> memref<10240x128xf32, #tpu.memory_space<vmem_shared>>
        tpu.wait_indirect_dma semaphore(%run_scoped3A : memref<!tpu.dma_semaphore, #tpu.memory_space<semaphore_mem>>) src(%arg9 : memref<128x128xf32, #tpu.memory_space<vmem>>) dst(%dma_wait3A_32 : memref<10240x128xf32, #tpu.memory_space<vmem_shared>>)
        tpu.yield
      }) : () -> ()
    }
    %scan3A_9 = arith.constant 79 : i32
    %barrier3A_10 = arith.constant 0 : index
    tpu.barrier barrier_id(%barrier3A_10)
    %mul3A_11 = arith.constant 10240 : i32
    %mul3A_12 = arith.muli %arg0, %mul3A_11 : i32
    %mul3A_13 = arith.constant 640 : i32
    %mul3A_14 = arith.muli %arg1, %mul3A_13 : i32
    %add3A_15 = arith.addi %mul3A_12, %mul3A_14 : i32
    %multiple_of3A = tpu.assume_multiple %add3A_15, 640 : i32
    %mul3A_16 = arith.constant 640 : i32
    %mul3A_17 = arith.muli %arg1, %mul3A_16 : i32
    "tpu.region"() ({
      %run_scoped3A = tpu.sem_alloc : memref<!tpu.dma_semaphore, #tpu.memory_space<semaphore_mem>>
      %dma_start3A = arith.constant 0 : i32
      %dma_start3A_18 = tpu.memref_slice %arg6[%multiple_of3A, %dma_start3A] : memref<20480x128xf32, #tpu.memory_space<hbm>> -> memref<640x128xf32, #tpu.memory_space<hbm>>
      %dma_start3A_19 = arith.constant 0 : i32
      %dma_start3A_20 = tpu.memref_slice %arg10[%mul3A_17, %dma_start3A_19] : memref<10240x128xf32, #tpu.memory_space<vmem_shared>> -> memref<640x128xf32, #tpu.memory_space<vmem_shared>>
      tpu.enqueue_dma source(%dma_start3A_20 : memref<640x128xf32, #tpu.memory_space<vmem_shared>>) target(%dma_start3A_18 : memref<640x128xf32, #tpu.memory_space<hbm>>) target_semaphore(%run_scoped3A : memref<!tpu.dma_semaphore, #tpu.memory_space<semaphore_mem>>)
      %dma_wait3A = arith.constant 0 : i32
      %dma_wait3A_21 = tpu.memref_slice %arg6[%multiple_of3A, %dma_wait3A] : memref<20480x128xf32, #tpu.memory_space<hbm>> -> memref<640x128xf32, #tpu.memory_space<hbm>>
      %dma_wait3A_22 = arith.constant 0 : i32
      %dma_wait3A_23 = tpu.memref_slice %arg10[%mul3A_17, %dma_wait3A_22] : memref<10240x128xf32, #tpu.memory_space<vmem_shared>> -> memref<640x128xf32, #tpu.memory_space<vmem_shared>>
      tpu.wait_dma2 semaphore(%run_scoped3A : memref<!tpu.dma_semaphore, #tpu.memory_space<semaphore_mem>>) src(%dma_wait3A_23 : memref<640x128xf32, #tpu.memory_space<vmem_shared>>) dst(%dma_wait3A_21 : memref<640x128xf32, #tpu.memory_space<hbm>>)
      tpu.yield
    }) : () -> ()
    return
  }
}

#map = affine_map<(d0, d1) -> (0)>
module attributes {stable_mosaic.version = 14 : i64} {
  func.func @_sc_deg(%arg0: i32, %arg1: i32, %arg2: memref<323584xi32, #tpu.memory_space<hbm>>, %arg3: memref<640xf32, #tpu.memory_space<hbm>>, %arg4: memref<20480xf32, #tpu.memory_space<hbm>>, %arg5: memref<128xi32, #tpu.memory_space<vmem>>, %arg6: memref<128xf32, #tpu.memory_space<vmem>>, %arg7: memref<10240xf32, #tpu.memory_space<vmem_shared>>) attributes {dimension_semantics = [#tpu.dimension_semantics<core_parallel>, #tpu.dimension_semantics<subcore_parallel>], iteration_bounds = array<i64: 2, 16>, scalar_prefetch = 0 : i64, scratch_operands = 3 : i64, tpu.core_type = #tpu.core_type<sc_vector_subcore>, window_params = [{transform_indices = #map}, {transform_indices = #map}, {transform_indices = #map}]} {
    %broadcast_in_dim3A = arith.constant 1.000000e+00 : f32
    %broadcast_in_dim3A_0 = vector.broadcast %broadcast_in_dim3A : f32 to vector<16xf32>
    %swap3A = arith.constant 0 : index
    %swap3A_1 = tpu.vector_load %arg6[%swap3A] {strides = array<i32>} : memref<128xf32, #tpu.memory_space<vmem>>, vector<16xf32>,
    %swap3A_2 = vector.shape_cast %swap3A_1 : vector<16xf32> to vector<16xf32>
    %swap3A_3 = vector.shape_cast %broadcast_in_dim3A_0 : vector<16xf32> to vector<16xf32>
    tpu.vector_store %arg6[%swap3A], %swap3A_3 {strides = array<i32>} : memref<128xf32, #tpu.memory_space<vmem>>, vector<16xf32>,
    %broadcast_in_dim3A_4 = arith.constant 1.000000e+00 : f32
    %broadcast_in_dim3A_5 = vector.broadcast %broadcast_in_dim3A_4 : f32 to vector<16xf32>
    %swap3A_6 = arith.constant 16 : index
    %swap3A_7 = tpu.vector_load %arg6[%swap3A_6] {strides = array<i32>} : memref<128xf32, #tpu.memory_space<vmem>>, vector<16xf32>,
    %swap3A_8 = vector.shape_cast %swap3A_7 : vector<16xf32> to vector<16xf32>
    %swap3A_9 = vector.shape_cast %broadcast_in_dim3A_5 : vector<16xf32> to vector<16xf32>
    tpu.vector_store %arg6[%swap3A_6], %swap3A_9 {strides = array<i32>} : memref<128xf32, #tpu.memory_space<vmem>>, vector<16xf32>,
    %broadcast_in_dim3A_10 = arith.constant 1.000000e+00 : f32
    %broadcast_in_dim3A_11 = vector.broadcast %broadcast_in_dim3A_10 : f32 to vector<16xf32>
    %swap3A_12 = arith.constant 32 : index
    %swap3A_13 = tpu.vector_load %arg6[%swap3A_12] {strides = array<i32>} : memref<128xf32, #tpu.memory_space<vmem>>, vector<16xf32>,
    %swap3A_14 = vector.shape_cast %swap3A_13 : vector<16xf32> to vector<16xf32>
    %swap3A_15 = vector.shape_cast %broadcast_in_dim3A_11 : vector<16xf32> to vector<16xf32>
    tpu.vector_store %arg6[%swap3A_12], %swap3A_15 {strides = array<i32>} : memref<128xf32, #tpu.memory_space<vmem>>, vector<16xf32>,
    %broadcast_in_dim3A_16 = arith.constant 1.000000e+00 : f32
    %broadcast_in_dim3A_17 = vector.broadcast %broadcast_in_dim3A_16 : f32 to vector<16xf32>
    %swap3A_18 = arith.constant 48 : index
    %swap3A_19 = tpu.vector_load %arg6[%swap3A_18] {strides = array<i32>} : memref<128xf32, #tpu.memory_space<vmem>>, vector<16xf32>,
    %swap3A_20 = vector.shape_cast %swap3A_19 : vector<16xf32> to vector<16xf32>
    %swap3A_21 = vector.shape_cast %broadcast_in_dim3A_17 : vector<16xf32> to vector<16xf32>
    tpu.vector_store %arg6[%swap3A_18], %swap3A_21 {strides = array<i32>} : memref<128xf32, #tpu.memory_space<vmem>>, vector<16xf32>,
    %broadcast_in_dim3A_22 = arith.constant 1.000000e+00 : f32
    %broadcast_in_dim3A_23 = vector.broadcast %broadcast_in_dim3A_22 : f32 to vector<16xf32>
    %swap3A_24 = arith.constant 64 : index
    %swap3A_25 = tpu.vector_load %arg6[%swap3A_24] {strides = array<i32>} : memref<128xf32, #tpu.memory_space<vmem>>, vector<16xf32>,
    %swap3A_26 = vector.shape_cast %swap3A_25 : vector<16xf32> to vector<16xf32>
    %swap3A_27 = vector.shape_cast %broadcast_in_dim3A_23 : vector<16xf32> to vector<16xf32>
    tpu.vector_store %arg6[%swap3A_24], %swap3A_27 {strides = array<i32>} : memref<128xf32, #tpu.memory_space<vmem>>, vector<16xf32>,
    %broadcast_in_dim3A_28 = arith.constant 1.000000e+00 : f32
    %broadcast_in_dim3A_29 = vector.broadcast %broadcast_in_dim3A_28 : f32 to vector<16xf32>
    %swap3A_30 = arith.constant 80 : index
    %swap3A_31 = tpu.vector_load %arg6[%swap3A_30] {strides = array<i32>} : memref<128xf32, #tpu.memory_space<vmem>>, vector<16xf32>,
    %swap3A_32 = vector.shape_cast %swap3A_31 : vector<16xf32> to vector<16xf32>
    %swap3A_33 = vector.shape_cast %broadcast_in_dim3A_29 : vector<16xf32> to vector<16xf32>
    tpu.vector_store %arg6[%swap3A_30], %swap3A_33 {strides = array<i32>} : memref<128xf32, #tpu.memory_space<vmem>>, vector<16xf32>,
    %broadcast_in_dim3A_34 = arith.constant 1.000000e+00 : f32
    %broadcast_in_dim3A_35 = vector.broadcast %broadcast_in_dim3A_34 : f32 to vector<16xf32>
    %swap3A_36 = arith.constant 96 : index
    %swap3A_37 = tpu.vector_load %arg6[%swap3A_36] {strides = array<i32>} : memref<128xf32, #tpu.memory_space<vmem>>, vector<16xf32>,
    %swap3A_38 = vector.shape_cast %swap3A_37 : vector<16xf32> to vector<16xf32>
    %swap3A_39 = vector.shape_cast %broadcast_in_dim3A_35 : vector<16xf32> to vector<16xf32>
    tpu.vector_store %arg6[%swap3A_36], %swap3A_39 {strides = array<i32>} : memref<128xf32, #tpu.memory_space<vmem>>, vector<16xf32>,
    %broadcast_in_dim3A_40 = arith.constant 1.000000e+00 : f32
    %broadcast_in_dim3A_41 = vector.broadcast %broadcast_in_dim3A_40 : f32 to vector<16xf32>
    %swap3A_42 = arith.constant 112 : index
    %swap3A_43 = tpu.vector_load %arg6[%swap3A_42] {strides = array<i32>} : memref<128xf32, #tpu.memory_space<vmem>>, vector<16xf32>,
    %swap3A_44 = vector.shape_cast %swap3A_43 : vector<16xf32> to vector<16xf32>
    %swap3A_45 = vector.shape_cast %broadcast_in_dim3A_41 : vector<16xf32> to vector<16xf32>
    tpu.vector_store %arg6[%swap3A_42], %swap3A_45 {strides = array<i32>} : memref<128xf32, #tpu.memory_space<vmem>>, vector<16xf32>,
    %mul3A = arith.constant 640 : i32
    %mul3A_46 = arith.muli %arg1, %mul3A : i32
    "tpu.region"() ({
      %run_scoped3A = tpu.sem_alloc : memref<!tpu.dma_semaphore, #tpu.memory_space<semaphore_mem>>
      %dma_start3A = tpu.memref_slice %arg7[%mul3A_46] : memref<10240xf32, #tpu.memory_space<vmem_shared>> -> memref<640xf32, #tpu.memory_space<vmem_shared>>
      %dma_start3A_64 = arith.constant 0 : i32
      %dma_start3A_65 = tpu.memref_slice %arg3[%dma_start3A_64] : memref<640xf32, #tpu.memory_space<hbm>> -> memref<640xf32, #tpu.memory_space<hbm>>
      tpu.enqueue_dma source(%dma_start3A_65 : memref<640xf32, #tpu.memory_space<hbm>>) target(%dma_start3A : memref<640xf32, #tpu.memory_space<vmem_shared>>) target_semaphore(%run_scoped3A : memref<!tpu.dma_semaphore, #tpu.memory_space<semaphore_mem>>)
      %dma_wait3A = tpu.memref_slice %arg7[%mul3A_46] : memref<10240xf32, #tpu.memory_space<vmem_shared>> -> memref<640xf32, #tpu.memory_space<vmem_shared>>
      %dma_wait3A_66 = arith.constant 0 : i32
      %dma_wait3A_67 = tpu.memref_slice %arg3[%dma_wait3A_66] : memref<640xf32, #tpu.memory_space<hbm>> -> memref<640xf32, #tpu.memory_space<hbm>>
      tpu.wait_dma2 semaphore(%run_scoped3A : memref<!tpu.dma_semaphore, #tpu.memory_space<semaphore_mem>>) src(%dma_wait3A_67 : memref<640xf32, #tpu.memory_space<hbm>>) dst(%dma_wait3A : memref<640xf32, #tpu.memory_space<vmem_shared>>)
      tpu.yield
    }) : () -> ()
    %barrier3A = arith.constant 0 : index
    tpu.barrier barrier_id(%barrier3A)
    %mul3A_47 = arith.constant 16 : i32
    %mul3A_48 = arith.muli %arg0, %mul3A_47 : i32
    %add3A = arith.addi %mul3A_48, %arg1 : i32
    %mul3A_49 = arith.constant 10112 : i32
    %mul3A_50 = arith.muli %add3A, %mul3A_49 : i32
    %scan3A = arith.constant 0 : i32
    %scan3A_51 = arith.constant 0 : i32
    %scan3A_52 = arith.constant 79 : i32
    %scan3A_53 = arith.addi %scan3A_51, %scan3A_52 : i32
    %scan3A_54 = arith.constant 1 : i32
    scf.for %scan3A_64 = %scan3A_51 to %scan3A_53 step %scan3A_54  : i32 {
      %mul3A_65 = arith.constant 128 : i32
      %mul3A_66 = arith.muli %scan3A_64, %mul3A_65 : i32
      %add3A_67 = arith.addi %mul3A_50, %mul3A_66 : i32
      %multiple_of3A_68 = tpu.assume_multiple %add3A_67, 128 : i32
      "tpu.region"() ({
        %run_scoped3A = tpu.sem_alloc : memref<!tpu.dma_semaphore, #tpu.memory_space<semaphore_mem>>
        %dma_start3A = tpu.memref_slice %arg2[%multiple_of3A_68] : memref<323584xi32, #tpu.memory_space<hbm>> -> memref<128xi32, #tpu.memory_space<hbm>>
        %dma_start3A_69 = tpu.memref_slice %arg2[%multiple_of3A_68] : memref<323584xi32, #tpu.memory_space<hbm>> -> memref<128xi32, #tpu.memory_space<hbm>>
        tpu.enqueue_dma source(%dma_start3A_69 : memref<128xi32, #tpu.memory_space<hbm>>) target(%arg5 : memref<128xi32, #tpu.memory_space<vmem>>) target_semaphore(%run_scoped3A : memref<!tpu.dma_semaphore, #tpu.memory_space<semaphore_mem>>)
        %dma_wait3A = tpu.memref_slice %arg2[%multiple_of3A_68] : memref<323584xi32, #tpu.memory_space<hbm>> -> memref<128xi32, #tpu.memory_space<hbm>>
        %dma_wait3A_70 = tpu.memref_slice %arg2[%multiple_of3A_68] : memref<323584xi32, #tpu.memory_space<hbm>> -> memref<128xi32, #tpu.memory_space<hbm>>
        tpu.wait_dma2 semaphore(%run_scoped3A : memref<!tpu.dma_semaphore, #tpu.memory_space<semaphore_mem>>) src(%dma_wait3A_70 : memref<128xi32, #tpu.memory_space<hbm>>) dst(%arg5 : memref<128xi32, #tpu.memory_space<vmem>>)
        tpu.yield
      }) : () -> ()
      "tpu.region"() ({
        %run_scoped3A = tpu.sem_alloc : memref<!tpu.dma_semaphore, #tpu.memory_space<semaphore_mem>>
        %dma_start3A = arith.constant 0 : i32
        %dma_start3A_69 = tpu.memref_slice %arg7[%dma_start3A] : memref<10240xf32, #tpu.memory_space<vmem_shared>> -> memref<10240xf32, #tpu.memory_space<vmem_shared>>
        tpu.enqueue_indirect_dma source(%arg6 : memref<128xf32, #tpu.memory_space<vmem>>) target(%dma_start3A_69 : memref<10240xf32, #tpu.memory_space<vmem_shared>>) offsets(%arg5 : memref<128xi32, #tpu.memory_space<vmem>>) semaphore(%run_scoped3A : memref<!tpu.dma_semaphore, #tpu.memory_space<semaphore_mem>>) {add = true}
        %dma_wait3A = arith.constant 0 : i32
        %dma_wait3A_70 = tpu.memref_slice %arg7[%dma_wait3A] : memref<10240xf32, #tpu.memory_space<vmem_shared>> -> memref<10240xf32, #tpu.memory_space<vmem_shared>>
        tpu.wait_indirect_dma semaphore(%run_scoped3A : memref<!tpu.dma_semaphore, #tpu.memory_space<semaphore_mem>>) src(%arg6 : memref<128xf32, #tpu.memory_space<vmem>>) dst(%dma_wait3A_70 : memref<10240xf32, #tpu.memory_space<vmem_shared>>)
        tpu.yield
      }) : () -> ()
    }
    %scan3A_55 = arith.constant 79 : i32
    %barrier3A_56 = arith.constant 0 : index
    tpu.barrier barrier_id(%barrier3A_56)
    %mul3A_57 = arith.constant 10240 : i32
    %mul3A_58 = arith.muli %arg0, %mul3A_57 : i32
    %mul3A_59 = arith.constant 640 : i32
    %mul3A_60 = arith.muli %arg1, %mul3A_59 : i32
    %add3A_61 = arith.addi %mul3A_58, %mul3A_60 : i32
    %multiple_of3A = tpu.assume_multiple %add3A_61, 640 : i32
    %mul3A_62 = arith.constant 640 : i32
    %mul3A_63 = arith.muli %arg1, %mul3A_62 : i32
    "tpu.region"() ({
      %run_scoped3A = tpu.sem_alloc : memref<!tpu.dma_semaphore, #tpu.memory_space<semaphore_mem>>
      %dma_start3A = tpu.memref_slice %arg4[%multiple_of3A] : memref<20480xf32, #tpu.memory_space<hbm>> -> memref<640xf32, #tpu.memory_space<hbm>>
      %dma_start3A_64 = tpu.memref_slice %arg7[%mul3A_63] : memref<10240xf32, #tpu.memory_space<vmem_shared>> -> memref<640xf32, #tpu.memory_space<vmem_shared>>
      tpu.enqueue_dma source(%dma_start3A_64 : memref<640xf32, #tpu.memory_space<vmem_shared>>) target(%dma_start3A : memref<640xf32, #tpu.memory_space<hbm>>) target_semaphore(%run_scoped3A : memref<!tpu.dma_semaphore, #tpu.memory_space<semaphore_mem>>)
      %dma_wait3A = tpu.memref_slice %arg4[%multiple_of3A] : memref<20480xf32, #tpu.memory_space<hbm>> -> memref<640xf32, #tpu.memory_space<hbm>>
      %dma_wait3A_65 = tpu.memref_slice %arg7[%mul3A_63] : memref<10240xf32, #tpu.memory_space<vmem_shared>> -> memref<640xf32, #tpu.memory_space<vmem_shared>>
      tpu.wait_dma2 semaphore(%run_scoped3A : memref<!tpu.dma_semaphore, #tpu.memory_space<semaphore_mem>>) src(%dma_wait3A_65 : memref<640xf32, #tpu.memory_space<vmem_shared>>) dst(%dma_wait3A : memref<640xf32, #tpu.memory_space<hbm>>)
      tpu.yield
    }) : () -> ()
    return
  }
}

module attributes {stable_mosaic.version = 14 : i64} {
  func.func @body(%arg0: i32, %arg1: memref<1024x128xf32, #tpu.memory_space<vmem>>, %arg2: memref<128x128xf32, #tpu.memory_space<vmem>>, %arg3: memref<1024x1xf32, #tpu.memory_space<vmem>>, %arg4: memref<1024x1xf32, #tpu.memory_space<vmem>>, %arg5: memref<1024x128xf32, #tpu.memory_space<vmem>>, %arg6: memref<1024x1xf32, #tpu.memory_space<vmem>>) attributes {dimension_semantics = [#tpu.dimension_semantics<arbitrary>], iteration_bounds = array<i64: 10>, scalar_prefetch = 0 : i64, scratch_operands = 0 : i64, tpu.core_type = #tpu.core_type<tc>, window_params = [{transform_indices = @transform_0, window_bounds = array<i64: 1024, 128>}, {pipeline_mode = #tpu.pipeline_mode<synchronous>, transform_indices = @transform_1, window_bounds = array<i64: 128, 128>}, {transform_indices = @transform_2, window_bounds = array<i64: 1024, 1>}, {transform_indices = @transform_3, window_bounds = array<i64: 1024, 1>}, {transform_indices = @transform_4, window_bounds = array<i64: 1024, 128>}, {transform_indices = @transform_5, window_bounds = array<i64: 1024, 1>}]} {
    %get3A = arith.constant 0 : index
    %get3A_0 = arith.constant 0 : index
    %get3A_1 = vector.load %arg3[%get3A, %get3A_0] : memref<1024x1xf32, #tpu.memory_space<vmem>>, vector<1024x1xf32>
    %get3A_2 = arith.constant 0 : index
    %get3A_3 = arith.constant 0 : index
    %get3A_4 = vector.load %arg4[%get3A_2, %get3A_3] : memref<1024x1xf32, #tpu.memory_space<vmem>>, vector<1024x1xf32>
    %add3A = arith.addf %get3A_1, %get3A_4 : vector<1024x1xf32>
    %add3A_5 = arith.constant 1.000000e+00 : f32
    %add3A_6 = vector.broadcast %add3A_5 : f32 to vector<1024x1xf32>
    %add3A_7 = arith.addf %add3A, %add3A_6 : vector<1024x1xf32>
    %rsqrt3A = math.rsqrt %add3A_7 : vector<1024x1xf32>
    %get3A_8 = arith.constant 0 : index
    %get3A_9 = arith.constant 0 : index
    %get3A_10 = vector.load %arg1[%get3A_8, %get3A_9] : memref<1024x128xf32, #tpu.memory_space<vmem>>, vector<1024x128xf32>
    %get3A_11 = arith.constant 0 : index
    %get3A_12 = arith.constant 0 : index
    %get3A_13 = vector.load %arg2[%get3A_11, %get3A_12] : memref<128x128xf32, #tpu.memory_space<vmem>>, vector<128x128xf32>
    %dot_general3A = arith.constant dense<0.000000e+00> : vector<1024x128xf32>
    %dot_general3A_14 = tpu.matmul %get3A_10, %get3A_13, %dot_general3A {dimension_numbers = #tpu.dot_dimension_numbers<[1], [0], [0], [1], [0, 0, 1, 1], [], []>, transpose_lhs_hint = false} : vector<1024x128xf32>, vector<128x128xf32>, vector<1024x128xf32> -> vector<1024x128xf32>
    %mul3A = vector.broadcast %rsqrt3A : vector<1024x1xf32> to vector<1024x128xf32>
    %mul3A_15 = arith.mulf %dot_general3A_14, %mul3A : vector<1024x128xf32>
    %swap3A = arith.constant 0 : index
    %swap3A_16 = arith.constant 0 : index
    %swap3A_17 = vector.load %arg5[%swap3A, %swap3A_16] : memref<1024x128xf32, #tpu.memory_space<vmem>>, vector<1024x128xf32>
    tpu.vector_store %arg5[%swap3A, %swap3A_16], %mul3A_15 {strides = array<i32>} : memref<1024x128xf32, #tpu.memory_space<vmem>>, vector<1024x128xf32>,
    %swap3A_18 = arith.constant 0 : index
    %swap3A_19 = arith.constant 0 : index
    %swap3A_20 = vector.load %arg6[%swap3A_18, %swap3A_19] : memref<1024x1xf32, #tpu.memory_space<vmem>>, vector<1024x1xf32>
    tpu.vector_store %arg6[%swap3A_18, %swap3A_19], %rsqrt3A {strides = array<i32>} : memref<1024x1xf32, #tpu.memory_space<vmem>>, vector<1024x1xf32>,
    return
  }
  func.func @transform_0(%arg0: i32) -> (i32, i32) {
    %c0_i32 = arith.constant 0 : i32
    %c0_i32_0 = arith.constant 0 : i32
    return %arg0, %c0_i32 : i32, i32
  }
  func.func @transform_1(%arg0: i32) -> (i32, i32) {
    %c0_i32 = arith.constant 0 : i32
    %c0_i32_0 = arith.constant 0 : i32
    %c0_i32_1 = arith.constant 0 : i32
    return %c0_i32, %c0_i32_0 : i32, i32
  }
  func.func @transform_2(%arg0: i32) -> (i32, i32) {
    %c0_i32 = arith.constant 0 : i32
    %c0_i32_0 = arith.constant 0 : i32
    return %arg0, %c0_i32 : i32, i32
  }
  func.func @transform_3(%arg0: i32) -> (i32, i32) {
    %c0_i32 = arith.constant 0 : i32
    %c0_i32_0 = arith.constant 0 : i32
    return %arg0, %c0_i32 : i32, i32
  }
  func.func @transform_4(%arg0: i32) -> (i32, i32) {
    %c0_i32 = arith.constant 0 : i32
    %c0_i32_0 = arith.constant 0 : i32
    return %arg0, %c0_i32 : i32, i32
  }
  func.func @transform_5(%arg0: i32) -> (i32, i32) {
    %c0_i32 = arith.constant 0 : i32
    %c0_i32_0 = arith.constant 0 : i32
    return %arg0, %c0_i32 : i32, i32
  }
}

module attributes {stable_mosaic.version = 14 : i64} {
  func.func @body(%arg0: i32, %arg1: memref<1024x128xf32, #tpu.memory_space<vmem>>, %arg2: memref<1024x128xf32, #tpu.memory_space<vmem>>, %arg3: memref<1024x128xf32, #tpu.memory_space<vmem>>, %arg4: memref<1024x1xf32, #tpu.memory_space<vmem>>, %arg5: memref<1x128xf32, #tpu.memory_space<vmem>>, %arg6: memref<128x128xf32, #tpu.memory_space<vmem>>, %arg7: memref<1024x128xf32, #tpu.memory_space<vmem>>) attributes {dimension_semantics = [#tpu.dimension_semantics<arbitrary>], iteration_bounds = array<i64: 10>, scalar_prefetch = 0 : i64, scratch_operands = 0 : i64, tpu.core_type = #tpu.core_type<tc>, window_params = [{transform_indices = @transform_0, window_bounds = array<i64: 1024, 128>}, {transform_indices = @transform_1, window_bounds = array<i64: 1024, 128>}, {transform_indices = @transform_2, window_bounds = array<i64: 1024, 128>}, {transform_indices = @transform_3, window_bounds = array<i64: 1024, 1>}, {pipeline_mode = #tpu.pipeline_mode<synchronous>, transform_indices = @transform_4, window_bounds = array<i64: 1, 128>}, {pipeline_mode = #tpu.pipeline_mode<synchronous>, transform_indices = @transform_5, window_bounds = array<i64: 128, 128>}, {transform_indices = @transform_6, window_bounds = array<i64: 1024, 128>}]} {
    %get3A = arith.constant 0 : index
    %get3A_0 = arith.constant 0 : index
    %get3A_1 = vector.load %arg4[%get3A, %get3A_0] : memref<1024x1xf32, #tpu.memory_space<vmem>>, vector<1024x1xf32>
    %get3A_2 = arith.constant 0 : index
    %get3A_3 = arith.constant 0 : index
    %get3A_4 = vector.load %arg1[%get3A_2, %get3A_3] : memref<1024x128xf32, #tpu.memory_space<vmem>>, vector<1024x128xf32>
    %get3A_5 = arith.constant 0 : index
    %get3A_6 = arith.constant 0 : index
    %get3A_7 = vector.load %arg2[%get3A_5, %get3A_6] : memref<1024x128xf32, #tpu.memory_space<vmem>>, vector<1024x128xf32>
    %add3A = arith.addf %get3A_4, %get3A_7 : vector<1024x128xf32>
    %get3A_8 = arith.constant 0 : index
    %get3A_9 = arith.constant 0 : index
    %get3A_10 = vector.load %arg3[%get3A_8, %get3A_9] : memref<1024x128xf32, #tpu.memory_space<vmem>>, vector<1024x128xf32>
    %add3A_11 = arith.addf %add3A, %get3A_10 : vector<1024x128xf32>
    %mul3A = vector.broadcast %get3A_1 : vector<1024x1xf32> to vector<1024x128xf32>
    %mul3A_12 = arith.mulf %mul3A, %add3A_11 : vector<1024x128xf32>
    %get3A_13 = arith.constant 0 : index
    %get3A_14 = arith.constant 0 : index
    %get3A_15 = vector.load %arg5[%get3A_13, %get3A_14] : memref<1x128xf32, #tpu.memory_space<vmem>>, vector<1x128xf32>
    %add3A_16 = vector.broadcast %get3A_15 : vector<1x128xf32> to vector<1024x128xf32>
    %add3A_17 = arith.addf %mul3A_12, %add3A_16 : vector<1024x128xf32>
    %max3A = arith.constant 0.000000e+00 : f32
    %max3A_18 = vector.broadcast %max3A : f32 to vector<1024x128xf32>
    %max3A_19 = arith.maximumf %add3A_17, %max3A_18 : vector<1024x128xf32>
    %get3A_20 = arith.constant 0 : index
    %get3A_21 = arith.constant 0 : index
    %get3A_22 = vector.load %arg6[%get3A_20, %get3A_21] : memref<128x128xf32, #tpu.memory_space<vmem>>, vector<128x128xf32>
    %dot_general3A = arith.constant dense<0.000000e+00> : vector<1024x128xf32>
    %dot_general3A_23 = tpu.matmul %max3A_19, %get3A_22, %dot_general3A {dimension_numbers = #tpu.dot_dimension_numbers<[1], [0], [0], [1], [0, 0, 1, 1], [], []>, transpose_lhs_hint = false} : vector<1024x128xf32>, vector<128x128xf32>, vector<1024x128xf32> -> vector<1024x128xf32>
    %mul3A_24 = vector.broadcast %get3A_1 : vector<1024x1xf32> to vector<1024x128xf32>
    %mul3A_25 = arith.mulf %mul3A_24, %dot_general3A_23 : vector<1024x128xf32>
    %swap3A = arith.constant 0 : index
    %swap3A_26 = arith.constant 0 : index
    %swap3A_27 = vector.load %arg7[%swap3A, %swap3A_26] : memref<1024x128xf32, #tpu.memory_space<vmem>>, vector<1024x128xf32>
    tpu.vector_store %arg7[%swap3A, %swap3A_26], %mul3A_25 {strides = array<i32>} : memref<1024x128xf32, #tpu.memory_space<vmem>>, vector<1024x128xf32>,
    return
  }
  func.func @transform_0(%arg0: i32) -> (i32, i32) {
    %c0_i32 = arith.constant 0 : i32
    %c0_i32_0 = arith.constant 0 : i32
    return %arg0, %c0_i32 : i32, i32
  }
  func.func @transform_1(%arg0: i32) -> (i32, i32) {
    %c0_i32 = arith.constant 0 : i32
    %c0_i32_0 = arith.constant 0 : i32
    return %arg0, %c0_i32 : i32, i32
  }
  func.func @transform_2(%arg0: i32) -> (i32, i32) {
    %c0_i32 = arith.constant 0 : i32
    %c0_i32_0 = arith.constant 0 : i32
    return %arg0, %c0_i32 : i32, i32
  }
  func.func @transform_3(%arg0: i32) -> (i32, i32) {
    %c0_i32 = arith.constant 0 : i32
    %c0_i32_0 = arith.constant 0 : i32
    return %arg0, %c0_i32 : i32, i32
  }
  func.func @transform_4(%arg0: i32) -> (i32, i32) {
    %c0_i32 = arith.constant 0 : i32
    %c0_i32_0 = arith.constant 0 : i32
    %c0_i32_1 = arith.constant 0 : i32
    return %c0_i32, %c0_i32_0 : i32, i32
  }
  func.func @transform_5(%arg0: i32) -> (i32, i32) {
    %c0_i32 = arith.constant 0 : i32
    %c0_i32_0 = arith.constant 0 : i32
    %c0_i32_1 = arith.constant 0 : i32
    return %c0_i32, %c0_i32_0 : i32, i32
  }
  func.func @transform_6(%arg0: i32) -> (i32, i32) {
    %c0_i32 = arith.constant 0 : i32
    %c0_i32_0 = arith.constant 0 : i32
    return %arg0, %c0_i32 : i32, i32
  }
}

module attributes {stable_mosaic.version = 14 : i64} {
  func.func @body(%arg0: i32, %arg1: memref<1024x128xf32, #tpu.memory_space<vmem>>, %arg2: memref<1024x128xf32, #tpu.memory_space<vmem>>, %arg3: memref<1024x128xf32, #tpu.memory_space<vmem>>, %arg4: memref<1024x1xf32, #tpu.memory_space<vmem>>, %arg5: memref<1x128xf32, #tpu.memory_space<vmem>>, %arg6: memref<1024x128xf32, #tpu.memory_space<vmem>>) attributes {dimension_semantics = [#tpu.dimension_semantics<arbitrary>], iteration_bounds = array<i64: 10>, scalar_prefetch = 0 : i64, scratch_operands = 0 : i64, tpu.core_type = #tpu.core_type<tc>, window_params = [{transform_indices = @transform_0, window_bounds = array<i64: 1024, 128>}, {transform_indices = @transform_1, window_bounds = array<i64: 1024, 128>}, {transform_indices = @transform_2, window_bounds = array<i64: 1024, 128>}, {transform_indices = @transform_3, window_bounds = array<i64: 1024, 1>}, {pipeline_mode = #tpu.pipeline_mode<synchronous>, transform_indices = @transform_4, window_bounds = array<i64: 1, 128>}, {transform_indices = @transform_5, window_bounds = array<i64: 1024, 128>}]} {
    %get3A = arith.constant 0 : index
    %get3A_0 = arith.constant 0 : index
    %get3A_1 = vector.load %arg4[%get3A, %get3A_0] : memref<1024x1xf32, #tpu.memory_space<vmem>>, vector<1024x1xf32>
    %get3A_2 = arith.constant 0 : index
    %get3A_3 = arith.constant 0 : index
    %get3A_4 = vector.load %arg1[%get3A_2, %get3A_3] : memref<1024x128xf32, #tpu.memory_space<vmem>>, vector<1024x128xf32>
    %get3A_5 = arith.constant 0 : index
    %get3A_6 = arith.constant 0 : index
    %get3A_7 = vector.load %arg2[%get3A_5, %get3A_6] : memref<1024x128xf32, #tpu.memory_space<vmem>>, vector<1024x128xf32>
    %add3A = arith.addf %get3A_4, %get3A_7 : vector<1024x128xf32>
    %get3A_8 = arith.constant 0 : index
    %get3A_9 = arith.constant 0 : index
    %get3A_10 = vector.load %arg3[%get3A_8, %get3A_9] : memref<1024x128xf32, #tpu.memory_space<vmem>>, vector<1024x128xf32>
    %add3A_11 = arith.addf %add3A, %get3A_10 : vector<1024x128xf32>
    %mul3A = vector.broadcast %get3A_1 : vector<1024x1xf32> to vector<1024x128xf32>
    %mul3A_12 = arith.mulf %mul3A, %add3A_11 : vector<1024x128xf32>
    %get3A_13 = arith.constant 0 : index
    %get3A_14 = arith.constant 0 : index
    %get3A_15 = vector.load %arg5[%get3A_13, %get3A_14] : memref<1x128xf32, #tpu.memory_space<vmem>>, vector<1x128xf32>
    %add3A_16 = vector.broadcast %get3A_15 : vector<1x128xf32> to vector<1024x128xf32>
    %add3A_17 = arith.addf %mul3A_12, %add3A_16 : vector<1024x128xf32>
    %swap3A = arith.constant 0 : index
    %swap3A_18 = arith.constant 0 : index
    %swap3A_19 = vector.load %arg6[%swap3A, %swap3A_18] : memref<1024x128xf32, #tpu.memory_space<vmem>>, vector<1024x128xf32>
    tpu.vector_store %arg6[%swap3A, %swap3A_18], %add3A_17 {strides = array<i32>} : memref<1024x128xf32, #tpu.memory_space<vmem>>, vector<1024x128xf32>,
    return
  }
  func.func @transform_0(%arg0: i32) -> (i32, i32) {
    %c0_i32 = arith.constant 0 : i32
    %c0_i32_0 = arith.constant 0 : i32
    return %arg0, %c0_i32 : i32, i32
  }
  func.func @transform_1(%arg0: i32) -> (i32, i32) {
    %c0_i32 = arith.constant 0 : i32
    %c0_i32_0 = arith.constant 0 : i32
    return %arg0, %c0_i32 : i32, i32
  }
  func.func @transform_2(%arg0: i32) -> (i32, i32) {
    %c0_i32 = arith.constant 0 : i32
    %c0_i32_0 = arith.constant 0 : i32
    return %arg0, %c0_i32 : i32, i32
  }
  func.func @transform_3(%arg0: i32) -> (i32, i32) {
    %c0_i32 = arith.constant 0 : i32
    %c0_i32_0 = arith.constant 0 : i32
    return %arg0, %c0_i32 : i32, i32
  }
  func.func @transform_4(%arg0: i32) -> (i32, i32) {
    %c0_i32 = arith.constant 0 : i32
    %c0_i32_0 = arith.constant 0 : i32
    %c0_i32_1 = arith.constant 0 : i32
    return %c0_i32, %c0_i32_0 : i32, i32
  }
  func.func @transform_5(%arg0: i32) -> (i32, i32) {
    %c0_i32 = arith.constant 0 : i32
    %c0_i32_0 = arith.constant 0 : i32
    return %arg0, %c0_i32 : i32, i32
  }
}

</mosaic_0001>

<sc_bundles>
// kernel: kernel.11.cloned.1.call-start
scs
__scs_entry_jumppad:
0x0: {  	(pc) =	sbr.rel $0x88, $3  }
0x1: {  	(tag) =	ssettag $0x0;
	lr =	simm.s32 $0x1  }
0x2: {  	[smem:$0x3F9B] =	sst lr;
	_ =	strace $0xD0000000  }
0x3: {  	_ = 	snop  }
0x4: {  	_ = 	snop  }
0x5: {  	_ = 	snop  }
0x6: {  	_ = 	snop  }
0x7: {  	_ = 	snop  }
__scs_overlays_trampoline_lowered:
0x8: {  	[smem:$0x3FAA] =	sst s0  }
0x9: {  	[smem:$0x3FAB] =	sst s1  }
0xa: {  	[smem:$0x3FAC] =	sst s2  }
0xb: {  	[smem:$0x3FAD] =	sst s3  }
0xc: {  	[smem:$0x3FAE] =	sst s4  }
0xd: {  	[smem:$0x3FAF] =	sst s5  }
0xe: {  	[smem:$0x3FB0] =	sst s6  }
0xf: {  	[smem:$0x3FB1] =	sst s7  }
0x10: {  	[smem:$0x3FB2] =	sst s8  }
0x11: {  	[smem:$0x3FB3] =	sst s9;
	s0 =	simm.s32 @!p0 $0x0  }
0x12: {  	s1 =	sld [smem:$0x3F99];
	s0 =	simm.s32 @p0 $0x1  }
0x13: {  	[smem:$0x3FB4] =	sst s0;
	s0 =	simm.s32 @!p1 $0x0  }
0x14: {  	s2 =	sld [smem:$0x3F98];
	s0 =	simm.s32 @p1 $0x1  }
0x15: {  	[smem:$0x3FB5] =	sst s0;
	s0 =	simm.s32 @!p2 $0x0  }
0x16: {  	s3 =	sld [smem:$0x3FDB];
	s0 =	simm.s32 @p2 $0x1  }
0x17: {  	s4 =	simm.s32 $0x1BF5;
	[smem:$0x3FB7] =	sst s0  }
0x18: {  	s0 =	sld [smem:$0x3F9A];
	_ =	swait.ge [sflag:s4], $0x0  }
0x19: {  	s7 =	sld [smem:$0x3F9B]  }
0x1a: {  	s8 =	sadd.s32 $0xFFFFE003, lr  }
0x1b: {  	s9 =	sadd.s32 $0xFFFFFEF7, lr;
	s5 =	simm.s32 $0xFFFFFFFF;
	p2 =	slt.u32 s8, $0xFFFFF086  }
0x1c: {  	p1 =	slt.u32 s9, $0xF7A;
	s5 =	simm.s32 @!p2 $0x0  }
0x1d: {  	s5 =	simm.s32 @p1 $0x1;
	p0 =	seq.s32 s7, s2  }
0x1e: {  	s7 =	smul.u32 @!p0 $0xF7A, s2;
	p2 =	seq.s32 @!p0 s5, $0x0  }
0x1f: {  	s9 =	smul.u32 $0xF7A, s1;
	s8 =	simm.s32 @!p0 $0x1BF5;
	p2 =	por !p2, p0  }
0x20: {  	[sflag:s8] =	ssyncset.s32 @!p0 $0xFFFFF086;
	s6 =	sadd.s32 @!p0 s3, s7;
	s7 =	simm.s32 @!p0 $0x108  }
0x21: {  	s3 =	sadd.s32 s3, s9;
	s6 =	sadd.s32 @!p0 $0x88, s6;
	s7 =	simm.s32 @p2 $0x1082  }
0x22: {  	[simem:s7], [sflag:s8] =	dma.local @!p0 [hbm:s6], $0xF7A  }
0x23: {  	s9 =	sor.u32 $0xD0000000, s2;
	s6 =	simm.s32 $0x108;
	_ =	swait.ge @!p0 [sflag:s8], $0x0  }
0x24: {  	s3 =	sadd.s32 $0x88, s3;
	s6 =	simm.s32 @!p1 $0x1082;
	[sflag:s4] =	ssyncset.s32 $0xFFFFF086  }
0x25: {  	[simem:s6], [sflag:s4] =	dma.local [hbm:s3], $0xF7A  }
0x26: {  	[smem:$0x3F9B] =	sst s1;
	(tag) =	ssettag s2;
	_ =	strace s9  }
0x27: {  	s1 =	sld [smem:$0x3FAB]  }
0x28: {  	s2 =	sld [smem:$0x3FAC]  }
0x29: {  	s4 =	sld [smem:$0x3FAE]  }
0x2a: {  	p0 =	seq.s32 s5, $0x0;
	s5 =	sld [smem:$0x3FAF]  }
0x2b: {  	s6 =	sld [smem:$0x3FB0]  }
0x2c: {  	s7 =	sld [smem:$0x3FB1]  }
0x2d: {  	s3 =	simm.s32 $0x108;
	s8 =	sld [smem:$0x3FB2]  }
0x2e: {  	s3 =	simm.s32 @!p0 $0x1082;
	s9 =	sld [smem:$0x3FB3]  }
0x2f: {  	lr =	sadd.s32 s0, s3;
	s0 =	sld [smem:$0x3FAA]  }
0x30: {  	s3 =	sld [smem:$0x3FAD]  }
0x31: {  	[smem:$0x3FB6] =	sst s10  }
0x32: {  	s10 =	sld [smem:$0x3FB4];
	_ =	sdelay $0x3  }
0x33: {  	p0 =	seq.s32 s10, $0x1;
	s10 =	sld [smem:$0x3FB6];
	_ =	sdelay $0x3  }
0x34: {  	[smem:$0x3FB6] =	sst s10  }
0x35: {  	s10 =	sld [smem:$0x3FB5];
	_ =	sdelay $0x3  }
0x36: {  	p1 =	seq.s32 s10, $0x1;
	s10 =	sld [smem:$0x3FB6];
	_ =	sdelay $0x3  }
0x37: {  	[smem:$0x3FB6] =	sst s10  }
0x38: {  	s10 =	sld [smem:$0x3FB7]  }
0x39: {  	_ = 	snop;
	(pc) =	sbr.ind lr, $3  }
0x3a: {  	_ = 	snop  }
0x3b: {  	_ = 	snop  }
0x3c: {  	p2 =	seq.s32 s10, $0x1;
	s10 =	sld [smem:$0x3FB6]  }
0x3d: {  	_ =	shalt  }
0x3e: {  	_ =	shalt  }
0x3f: {  	_ =	shalt  }
0x40: {  	_ =	shalt  }
0x41: {  	_ =	shalt  }
0x42: {  	_ =	shalt  }
0x43: {  	_ =	shalt  }
0x44: {  	_ =	shalt  }
0x45: {  	_ =	shalt  }
0x46: {  	_ =	shalt  }
0x47: {  	_ =	shalt  }
0x48: {  	_ =	shalt  }
0x49: {  	_ =	shalt  }
0x4a: {  	_ =	shalt  }
0x4b: {  	_ =	shalt  }
0x4c: {  	_ =	shalt  }
0x4d: {  	_ =	shalt  }
0x4e: {  	_ =	shalt  }
0x4f: {  	_ =	shalt  }
0x50: {  	_ =	shalt  }
0x51: {  	_ =	shalt  }
0x52: {  	_ =	shalt  }
0x53: {  	_ =	shalt  }
0x54: {  	_ =	shalt  }
0x55: {  	_ =	shalt  }
0x56: {  	_ =	shalt  }
0x57: {  	_ =	shalt  }
0x58: {  	_ =	shalt  }
0x59: {  	_ =	shalt  }
0x5a: {  	_ =	shalt  }
0x5b: {  	_ =	shalt  }
0x5c: {  	_ =	shalt  }
0x5d: {  	_ =	shalt  }
0x5e: {  	_ =	shalt  }
0x5f: {  	_ =	shalt  }
0x60: {  	_ =	shalt  }
0x61: {  	_ =	shalt  }
0x62: {  	_ =	shalt  }
0x63: {  	_ =	shalt  }
0x64: {  	_ =	shalt  }
0x65: {  	_ =	shalt  }
0x66: {  	_ =	shalt  }
0x67: {  	_ =	shalt  }
0x68: {  	_ =	shalt  }
0x69: {  	_ =	shalt  }
0x6a: {  	_ =	shalt  }
0x6b: {  	_ =	shalt  }
0x6c: {  	_ =	shalt  }
0x6d: {  	_ =	shalt  }
0x6e: {  	_ =	shalt  }
0x6f: {  	_ =	shalt  }
0x70: {  	_ =	shalt  }
0x71: {  	_ =	shalt  }
0x72: {  	_ =	shalt  }
0x73: {  	_ =	shalt  }
0x74: {  	_ =	shalt  }
0x75: {  	_ =	shalt  }
0x76: {  	_ =	shalt  }
0x77: {  	_ =	shalt  }
0x78: {  	_ =	shalt  }
0x79: {  	_ =	shalt  }
0x7a: {  	_ =	shalt  }
0x7b: {  	_ =	shalt  }
0x7c: {  	_ =	shalt  }
0x7d: {  	_ =	shalt  }
0x7e: {  	_ =	shalt  }
0x7f: {  	_ =	shalt  }
0x80: {  	_ =	shalt  }
0x81: {  	_ =	shalt  }
0x82: {  	_ =	shalt  }
0x83: {  	_ =	shalt  }
0x84: {  	_ =	shalt  }
0x85: {  	_ =	shalt  }
0x86: {  	_ =	shalt  }
0x87: {  	_ =	shalt  }
.Lfunc_end0:
.L_simem_size_0:
called_computation.1_lowered:
.L_overlay_start_0:
0x88: {  	s2 =	sld [smem:$0x3FD9]  }
0x89: {  	s3 =	sld [smem:$0x3FFE];
	_ =	sdelay $0x1  }
0x8a: {  	s1 =	srdreg.scid  }
0x8b: {  	s0 =	sand.u32 $0x1, s1  }
0x8c: {  	s17 =	sshll.u32 s0, $0xA;
	s2 =	sadd.s32 s3, s2  }
0x8d: {  	s2 =	sadd.s32 s2, s17  }
0x8e: {  	[smem:$0x3FC2] =	sst s2  }
0x8f: {  	_ = 	snop  }
0x90: {  	s2 =	sld [smem:$0x3FD0];
	(tm) =	ssettm $0x1  }
0x91: {  	s18 =	sld [smem:$0x3FFB];
	_ =	sdelay $0x3  }
0x92: {  	_ =	strace s18  }
0x93: {  	s3 =	sld [smem:$0x3FFC];
	_ =	sdelay $0x3  }
0x94: {  	_ =	strace s3  }
0x95: {  	s3 =	sld [smem:$0x3FFD];
	_ =	sdelay $0x3  }
0x96: {  	_ =	strace s3  }
0x97: {  	_ =	strace $0x8FFFFFFF  }
0x98: {  	s19 =	sld [smem:$0x3FDB];
	_ =	sdelay $0x1  }
0x99: {  	s4 =	simm.s32 $_scs_section_size  }
0x9a: {  	s5 =	simm.s32 $_size__tile_overlayer_lowered;
	s6 =	simm.s32 $_tile_overlayer_lowered  }
0x9b: {  	s22 =	simm.s32 $0x1BFF;
	s21 =	sshll.u32 s6, $0x1;
	s3 =	sadd.s32 s4, s19  }
0x9c: {  	s7 =	simm.s32 $0x0;
	s20 =	sshll.u32 s5, $0x1;
	s5 =	sadd.s32 s21, s3  }
0x9d: {  	[timem:s7], [sflag:s22] =	dma.local [hbm:s5], s20  }
0x9e: {  	_ =	swait.ge [sflag:s22], s20  }
0x9f: {  	s4 =	ssub.s32 $0x0, s20;
	[sflag:s22] =	ssyncset.done $0x0  }
0xa0: {  	[sflag:s22] =	ssyncadd.s32 s4;
	_ =	sdelay $0x1  }
0xa1: {  	s23 =	simm.s32 $0x1B8B  }
0xa2: {  	_ =	swait.ge [sflag:s23], $0x1  }
0xa3: {  	[sflag:s23] =	ssyncset.done $0x0  }
0xa4: {  	s25 =	simm.s32 $0x1B8E;
	s24 =	sld [smem:$0x3FFE];
	[sflag:s23] =	ssyncadd.s32 $0xFFFFFFFF  }
0xa5: {  	s26 =	simm.s32 $execute0_lowered;
	[smem:$0x3FD2] =	sst s25  }
0xa6: {  	s5 =	sshll.u32 s26, $0x1;
	_ =	strace $0x80000049;
	[dreg:$0x1] =	wrdreg $0xFFFFFFFF  }
0xa7: {  	s28 =	simm.s32 $_size_execute0_lowered;
	s3 =	sadd.s32 s3, s5;
	[dreg:$0x0] =	wrdreg $0x0  }
0xa8: {  	s5 =	sshll.u32 s28, $0x1;
	[dreg:$0x2] =	wrdreg s3  }
0xa9: {  	[dreg:$0x3] =	wrdreg s5  }
0xaa: {  	[dreg:$0x4] =	wrdreg $0xC0  }
0xab: {  	_ =	task [dreg:s7], $0x5FFFF  }
0xac: {  	[dreg:$0x1] =	wrdreg $0xFFFFFFFF  }
0xad: {  	[dreg:$0x0] =	wrdreg $0x60  }
0xae: {  	[dreg:$0x2] =	wrdreg s24  }
0xaf: {  	[dreg:$0x3] =	wrdreg s2  }
0xb0: {  	[dreg:$0x4] =	wrdreg $0x41000  }
0xb1: {  	[dreg:$0x5] =	wrdreg $0x9  }
0xb2: {  	_ =	task.clear_ibuf [dreg:s7], $0x6FFFF;
	_ =	strace $0x90000049  }
0xb3: {  	s29 =	simm.s32 $0x9;
	_ =	strace $0x8000004B  }
0xb4: {  	_ =	swait.ge [sflag:s29], $0x1  }
0xb5: {  	[sflag:s29] =	ssyncadd.s32 $0xFFFFFFFF  }
0xb6: {  	_ =	strace $0x9000004B  }
0xb7: {  	_ =	sfence  }
0xb8: {  	s30 =	sld [smem:$0x0];
	_ =	sdelay $0x2  }
0xb9: {  	s31 =	sshll.u32 s1, $0xD;
	s1 =	sshrl.u32 s1, $0x2  }
0xba: {  	s3 =	sand.u32 $0x4000, s31;
	s1 =	sadd.s32 s1, s30  }
0xbb: {  	s0 =	sor.u32 s3, s0;
	s1 =	sshll.u32 s1, $0x11  }
0xbc: {  	s0 =	sor.u32 s1, s0  }
0xbd: {  	s0 =	sadd.s32 $0x8F2B, s0  }
0xbe: {  	[sflag:s0] =	ssyncadd.remote.s32 $0x1  }
0xbf: {  	_ =	sfence.sel $0xFFFF  }
0xc0: {  	[dreg:$0x0] =	wrdreg $0xFFFFFFFF;
	(pc) =	sbr.abs _section_cstart, $3  }
0xc1: {  	[dreg:$0x1] =	wrdreg $0xFFFFFFFF  }
0xc2: {  	_ =	task.clear_ibuf [dreg:s7], $0x2FFFF;
	_ =	strace $0x9FFFFFFF  }
0xc3: {  	(tm) =	ssettm $0x7FFFFFFF  }
tec
execute0_lowered:
.L_overlay_start_1:
0x0: {  	(tag) =	ssettag $0x1  }
0x1: {  	s6 =	rddreg [dreg:$0x0]  }
0x2: {  	s8 =	rddreg [dreg:$0x1]  }
0x3: {  	s0 =	srdreg.scid;
	s1 =	stileid.u32  }
0x4: {  	s2 =	rddreg [dreg:$0x2];
	s3 =	simm.s32 $0x0;
	s7 =	smul.u32 $0x280, s1  }
0x5: {  	s15 =	simm.s32 $0x1;
	s16 =	simm.s32 $0x0;
	s12 =	smul.u32 $0x50000, s1  }
0x6: {  	s5 =	sand.u32 $0x1, s0;
	s0 =	rddreg [dreg:$0x3];
	s14 =	smul.u32 $0x4F0, s1  }
0x7: {  	[smem:$0x7FF] =	sst s3;
	s4 =	sadd.s32 $0xD000, s6;
	s9 =	smul.u32 $0x4F00, s5  }
0x8: {  	s13 =	sshll.u32 s1, $0x6;
	s10 =	smul.u32 $0x2800, s5;
	s30 =	ssub.s32 $0x2, s5  }
0x9: {  	_ =	strace $0x8000004A;
	s5 =	sadd.s32 $0x5D000, s6;
	s31 =	sshrl.u32 s30, $0x1  }
0xa: {  	s12 =	sshrl.u32 s12, $0x2;
	s11 =	sadd.s32 s9, s6;
	s7 =	sadd.s32 s7, s10  }
0xb: {  	s10 =	ssub.s32 s30, s31;
	s12 =	sadd.s32 s12, s2;
	s9 =	sadd.s32 s9, s8  }
0xc: {  	s7 =	sshll.u32 s7, $0x4;
	s11 =	sadd.s32 s14, s11;
	s8 =	smax.u32 s10, $0x1  }
0xd: {  	s9 =	sadd.s32 s14, s9;
	s14 =	simm.s32 $0x100;
	s7 =	sadd.s32 s7, s6  }
0xe: {  	s6 =	sor.u32 $0x1C02, s13;
	s10 =	sadd.s32 $0x3200, s11;
	s11 =	sshrl.u32 s12, $0x3  }
0xf: {  	s12 =	simm.s32 $0x2;
	s13 =	simm.s32 $0x80;
	s7 =	sadd.s32 $0x5F800, s7  }
.LBB2_1:
0x10: {  	[spmem:s11], [sflag:s6] =	dma.local [hbm:s5], $0x2800  }
0x11: {  	_ =	swait.ge [sflag:s12], $0x2800  }
0x12: {  	[sflag:s12] =	ssyncset.done $0x0  }
0x13: {  	[sflag:s12] =	ssyncadd.s32 $0xFFFFD800  }
0x14: {  	s17 =	sadd.s32 $0x0, s10;
	[bflag:$0x0] =	sbarrier.arrive $0xFFFF  }
0x15: {  	[tilespmem:s3], [sflag:$0x2] =	stream.linear.gather [hbm4b:s17+s3], $0x80, $0x38;
	[tilespmem:$0x18100] =	vst v63  }
0x16: {  	_ =	swait.ge [sflag:s12], $0x80  }
0x17: {  	[sflag:s12] =	ssyncset.done $0x0  }
0x18: {  	s31 =	sadd.s32 $0x0, s9;
	[sflag:s12] =	ssyncadd.s32 $0xFFFFFF80  }
0x19: {  	[tilespmem:s13], [sflag:$0x2] =	stream.linear.gather [hbm4b:s31+s3], $0x80, $0x38;
	[tilespmem:$0x18100] =	vst v63  }
0x1a: {  	_ =	swait.ge [sflag:s12], $0x80  }
0x1b: {  	[sflag:s12] =	ssyncset.done $0x0  }
0x1c: {  	[sflag:s12] =	ssyncadd.s32 $0xFFFFFF80  }
0x1d: {  	[tilespmem:s14], [sflag:$0x1] =	stream.indirect.gather [hbm4b:s4+s13], $0x80, s3, s13, $0xb8;
	[tilespmem:$0x18100] =	vst v63  }
0x1e: {  	_ =	swait.ge [sflag:s15], $0x4000  }
0x1f: {  	[sflag:s15] =	ssyncset.done $0x0  }
0x20: {  	[sflag:s15] =	ssyncadd.s32 $0xFFFFC000  }
0x21: {  	[spmem:s2] =	stream.indirect.scatter.add.f32 [tilespmem:s14], [sflag:$0x2], $0x80, s13, s13, $0xb8;
	[tilespmem:$0x18100] =	vst v63  }
0x22: {  	_ =	swait.ge [sflag:s12], $0x4000  }
0x23: {  	s18 =	simm.s32 $0x20;
	s17 =	simm.s32 $0x10;
	[sflag:s12] =	ssyncset.done $0x0  }
.LBB2_2:
0x24: {  	s19 =	sadd.s32 s17, s10  }
0x25: {  	[sflag:s12] =	ssyncadd.s32 $0xFFFFC000;
	s20 =	smov.u32 s18;
	s21 =	sadd.s32 $0x10, s18  }
0x26: {  	[tilespmem:s3], [sflag:$0x2] =	stream.linear.gather [hbm4b:s19+s3], $0x80, $0x38;
	[tilespmem:$0x18100] =	vst v63  }
0x27: {  	p0 =	sne.s32 s18, $0x4E0;
	_ =	swait.ge [sflag:s12], $0x80  }
0x28: {  	[sflag:s12] =	ssyncset.done $0x0  }
0x29: {  	s18 =	sadd.s32 s17, s9;
	s17 =	smov.u32 s20;
	[sflag:s12] =	ssyncadd.s32 $0xFFFFFF80  }
0x2a: {  	[tilespmem:s13], [sflag:$0x2] =	stream.linear.gather [hbm4b:s18+s3], $0x80, $0x38;
	[tilespmem:$0x18100] =	vst v63  }
0x2b: {  	_ =	swait.ge [sflag:s12], $0x80  }
0x2c: {  	[sflag:s12] =	ssyncset.done $0x0  }
0x2d: {  	[sflag:s12] =	ssyncadd.s32 $0xFFFFFF80  }
0x2e: {  	[tilespmem:s14], [sflag:$0x1] =	stream.indirect.gather [hbm4b:s4+s13], $0x80, s3, s13, $0xb8;
	[tilespmem:$0x18100] =	vst v63  }
0x2f: {  	_ =	swait.ge [sflag:s15], $0x4000  }
.Ltmp0:
0x30: {  	[sflag:s15] =	ssyncset.done $0x0;
	(pc) =	sbr.rel @p0 .LBB2_2-.Ltmp0, $4  }
0x31: {  	[sflag:s15] =	ssyncadd.s32 $0xFFFFC000  }
0x32: {  	[spmem:s2] =	stream.indirect.scatter.add.f32 [tilespmem:s14], [sflag:$0x2], $0x80, s13, s13, $0xb8;
	[tilespmem:$0x18100] =	vst v63  }
0x33: {  	_ =	swait.ge [sflag:s12], $0x4000  }
0x34: {  	s18 =	smov.u32 s21;
	[sflag:s12] =	ssyncset.done $0x0  }
0x35: {  	s18 =	sadd.s32 s17, s10;
	[sflag:s12] =	ssyncadd.s32 $0xFFFFC000  }
0x36: {  	[tilespmem:s3], [sflag:$0x2] =	stream.linear.gather [hbm4b:s18+s3], $0x80, $0x38;
	[tilespmem:$0x18100] =	vst v63  }
0x37: {  	_ =	swait.ge [sflag:s12], $0x80  }
0x38: {  	[sflag:s12] =	ssyncset.done $0x0  }
0x39: {  	s31 =	sadd.s32 s17, s9;
	[sflag:s12] =	ssyncadd.s32 $0xFFFFFF80  }
0x3a: {  	[tilespmem:s13], [sflag:$0x2] =	stream.linear.gather [hbm4b:s31+s3], $0x80, $0x38;
	[tilespmem:$0x18100] =	vst v63  }
0x3b: {  	_ =	swait.ge [sflag:s12], $0x80  }
0x3c: {  	[sflag:s12] =	ssyncset.done $0x0  }
0x3d: {  	[sflag:s12] =	ssyncadd.s32 $0xFFFFFF80  }
0x3e: {  	[tilespmem:s14], [sflag:$0x1] =	stream.indirect.gather [hbm4b:s4+s13], $0x80, s3, s13, $0xb8;
	[tilespmem:$0x18100] =	vst v63  }
0x3f: {  	_ =	swait.ge [sflag:s15], $0x4000  }
0x40: {  	[sflag:s15] =	ssyncset.done $0x0  }
0x41: {  	[sflag:s15] =	ssyncadd.s32 $0xFFFFC000  }
0x42: {  	[spmem:s2] =	stream.indirect.scatter.add.f32 [tilespmem:s14], [sflag:$0x2], $0x80, s13, s13, $0xb8;
	[tilespmem:$0x18100] =	vst v63  }
0x43: {  	_ =	swait.ge [sflag:s12], $0x4000  }
0x44: {  	s16 =	sadd.s32 $0x1, s16;
	[sflag:s12] =	ssyncset.done $0x0  }
0x45: {  	p0 =	sne.s32 s16, s8;
	[sflag:s12] =	ssyncadd.s32 $0xFFFFC000  }
.Ltmp1:
0x46: {  	[bflag:$0x0] =	sbarrier.arrive $0xFFFF;
	(pc) =	sbr.rel @p0 .LBB2_1-.Ltmp1, $4  }
0x47: {  	[hbm:s7], [sflag:s6] =	dma.local [spmem:s11], $0x2800  }
0x48: {  	_ =	swait.ge [sflag:s12], $0x2800  }
0x49: {  	[sflag:s12] =	ssyncset.done $0x0  }
0x4a: {  	[sflag:s12] =	ssyncadd.s32 $0xFFFFD800  }
0x4b: {  	_ =	sfence.sel $0x180000  }
0x4c: {  	[bflag:$0x0] =	sbarrier.arrive $0xFFFF  }
0x4d: {  	p0 =	sne.s32 s1, $0x0;
	_ =	strace $0x9000004A  }
0x4e: {  	s0 =	sadd.s32 @!p0 $0x100000, s0;
	[bflag:$0x2] =	sbarrier.arrive $0xFFFF  }
0x4f: {  	[sflag:s0] =	ssyncadd.tile.s32 @!p0 $0x1;
	_ =	shalt  }
.Lfunc_end2:
_tile_overlayer_lowered:
.L_overlay_start_2:
0x50: {  	(tag) =	ssettag $0x2  }
0x51: {  	s0 =	rddreg [dreg:$0x0];
	s2 =	stileid.u32  }
0x52: {  	s1 =	rddreg [dreg:$0x1];
	p0 =	sne.s32 s2, $0x0  }
0x53: {  	s3 =	rddreg [dreg:$0x2];
	[bflag:$0x3] =	sbarrier.arrive $0xFFFF;
	s2 =	simm.s32 @!p0 $0x1C02  }
0x54: {  	[timem:s3], [sflag:s2] =	dma.local @!p0 [hbm:s0], s1  }
0x55: {  	s0 =	simm.s32 @!p0 $0x2  }
0x56: {  	_ =	swait.ge @!p0 [sflag:s0], s1  }
0x57: {  	s1 =	ssub.s32 @!p0 $0x0, s1;
	[sflag:s0] =	ssyncset.done @!p0 $0x0  }
0x58: {  	[sflag:s0] =	ssyncadd.s32 @!p0 s1  }
0x59: {  	[bflag:$0x3] =	sbarrier.arrive $0xFFFF  }
0x5a: {  	_ =	shalt  }

// kernel: kernel.14.cloned.1.call-start
scs
__scs_entry_jumppad:
0x0: {  	(pc) =	sbr.rel $0x88, $3  }
0x1: {  	(tag) =	ssettag $0x0;
	lr =	simm.s32 $0x1  }
0x2: {  	[smem:$0x3F9B] =	sst lr;
	_ =	strace $0xD0000000  }
0x3: {  	_ = 	snop  }
0x4: {  	_ = 	snop  }
0x5: {  	_ = 	snop  }
0x6: {  	_ = 	snop  }
0x7: {  	_ = 	snop  }
__scs_overlays_trampoline_lowered:
0x8: {  	[smem:$0x3FAA] =	sst s0  }
0x9: {  	[smem:$0x3FAB] =	sst s1  }
0xa: {  	[smem:$0x3FAC] =	sst s2  }
0xb: {  	[smem:$0x3FAD] =	sst s3  }
0xc: {  	[smem:$0x3FAE] =	sst s4  }
0xd: {  	[smem:$0x3FAF] =	sst s5  }
0xe: {  	[smem:$0x3FB0] =	sst s6  }
0xf: {  	[smem:$0x3FB1] =	sst s7  }
0x10: {  	[smem:$0x3FB2] =	sst s8  }
0x11: {  	[smem:$0x3FB3] =	sst s9;
	s0 =	simm.s32 @!p0 $0x0  }
0x12: {  	s1 =	sld [smem:$0x3F99];
	s0 =	simm.s32 @p0 $0x1  }
0x13: {  	[smem:$0x3FB4] =	sst s0;
	s0 =	simm.s32 @!p1 $0x0  }
0x14: {  	s2 =	sld [smem:$0x3F98];
	s0 =	simm.s32 @p1 $0x1  }
0x15: {  	[smem:$0x3FB5] =	sst s0;
	s0 =	simm.s32 @!p2 $0x0  }
0x16: {  	s3 =	sld [smem:$0x3FDB];
	s0 =	simm.s32 @p2 $0x1  }
0x17: {  	s4 =	simm.s32 $0x1BF5;
	[smem:$0x3FB7] =	sst s0  }
0x18: {  	s0 =	sld [smem:$0x3F9A];
	_ =	swait.ge [sflag:s4], $0x0  }
0x19: {  	s7 =	sld [smem:$0x3F9B]  }
0x1a: {  	s8 =	sadd.s32 $0xFFFFE003, lr  }
0x1b: {  	s9 =	sadd.s32 $0xFFFFFEF7, lr;
	s5 =	simm.s32 $0xFFFFFFFF;
	p2 =	slt.u32 s8, $0xFFFFF086  }
0x1c: {  	p1 =	slt.u32 s9, $0xF7A;
	s5 =	simm.s32 @!p2 $0x0  }
0x1d: {  	s5 =	simm.s32 @p1 $0x1;
	p0 =	seq.s32 s7, s2  }
0x1e: {  	s7 =	smul.u32 @!p0 $0xF7A, s2;
	p2 =	seq.s32 @!p0 s5, $0x0  }
0x1f: {  	s9 =	smul.u32 $0xF7A, s1;
	s8 =	simm.s32 @!p0 $0x1BF5;
	p2 =	por !p2, p0  }
0x20: {  	[sflag:s8] =	ssyncset.s32 @!p0 $0xFFFFF086;
	s6 =	sadd.s32 @!p0 s3, s7;
	s7 =	simm.s32 @!p0 $0x108  }
0x21: {  	s3 =	sadd.s32 s3, s9;
	s6 =	sadd.s32 @!p0 $0x88, s6;
	s7 =	simm.s32 @p2 $0x1082  }
0x22: {  	[simem:s7], [sflag:s8] =	dma.local @!p0 [hbm:s6], $0xF7A  }
0x23: {  	s9 =	sor.u32 $0xD0000000, s2;
	s6 =	simm.s32 $0x108;
	_ =	swait.ge @!p0 [sflag:s8], $0x0  }
0x24: {  	s3 =	sadd.s32 $0x88, s3;
	s6 =	simm.s32 @!p1 $0x1082;
	[sflag:s4] =	ssyncset.s32 $0xFFFFF086  }
0x25: {  	[simem:s6], [sflag:s4] =	dma.local [hbm:s3], $0xF7A  }
0x26: {  	[smem:$0x3F9B] =	sst s1;
	(tag) =	ssettag s2;
	_ =	strace s9  }
0x27: {  	s1 =	sld [smem:$0x3FAB]  }
0x28: {  	s2 =	sld [smem:$0x3FAC]  }
0x29: {  	s4 =	sld [smem:$0x3FAE]  }
0x2a: {  	p0 =	seq.s32 s5, $0x0;
	s5 =	sld [smem:$0x3FAF]  }
0x2b: {  	s6 =	sld [smem:$0x3FB0]  }
0x2c: {  	s7 =	sld [smem:$0x3FB1]  }
0x2d: {  	s3 =	simm.s32 $0x108;
	s8 =	sld [smem:$0x3FB2]  }
0x2e: {  	s3 =	simm.s32 @!p0 $0x1082;
	s9 =	sld [smem:$0x3FB3]  }
0x2f: {  	lr =	sadd.s32 s0, s3;
	s0 =	sld [smem:$0x3FAA]  }
0x30: {  	s3 =	sld [smem:$0x3FAD]  }
0x31: {  	[smem:$0x3FB6] =	sst s10  }
0x32: {  	s10 =	sld [smem:$0x3FB4];
	_ =	sdelay $0x3  }
0x33: {  	p0 =	seq.s32 s10, $0x1;
	s10 =	sld [smem:$0x3FB6];
	_ =	sdelay $0x3  }
0x34: {  	[smem:$0x3FB6] =	sst s10  }
0x35: {  	s10 =	sld [smem:$0x3FB5];
	_ =	sdelay $0x3  }
0x36: {  	p1 =	seq.s32 s10, $0x1;
	s10 =	sld [smem:$0x3FB6];
	_ =	sdelay $0x3  }
0x37: {  	[smem:$0x3FB6] =	sst s10  }
0x38: {  	s10 =	sld [smem:$0x3FB7]  }
0x39: {  	_ = 	snop;
	(pc) =	sbr.ind lr, $3  }
0x3a: {  	_ = 	snop  }
0x3b: {  	_ = 	snop  }
0x3c: {  	p2 =	seq.s32 s10, $0x1;
	s10 =	sld [smem:$0x3FB6]  }
0x3d: {  	_ =	shalt  }
0x3e: {  	_ =	shalt  }
0x3f: {  	_ =	shalt  }
0x40: {  	_ =	shalt  }
0x41: {  	_ =	shalt  }
0x42: {  	_ =	shalt  }
0x43: {  	_ =	shalt  }
0x44: {  	_ =	shalt  }
0x45: {  	_ =	shalt  }
0x46: {  	_ =	shalt  }
0x47: {  	_ =	shalt  }
0x48: {  	_ =	shalt  }
0x49: {  	_ =	shalt  }
0x4a: {  	_ =	shalt  }
0x4b: {  	_ =	shalt  }
0x4c: {  	_ =	shalt  }
0x4d: {  	_ =	shalt  }
0x4e: {  	_ =	shalt  }
0x4f: {  	_ =	shalt  }
0x50: {  	_ =	shalt  }
0x51: {  	_ =	shalt  }
0x52: {  	_ =	shalt  }
0x53: {  	_ =	shalt  }
0x54: {  	_ =	shalt  }
0x55: {  	_ =	shalt  }
0x56: {  	_ =	shalt  }
0x57: {  	_ =	shalt  }
0x58: {  	_ =	shalt  }
0x59: {  	_ =	shalt  }
0x5a: {  	_ =	shalt  }
0x5b: {  	_ =	shalt  }
0x5c: {  	_ =	shalt  }
0x5d: {  	_ =	shalt  }
0x5e: {  	_ =	shalt  }
0x5f: {  	_ =	shalt  }
0x60: {  	_ =	shalt  }
0x61: {  	_ =	shalt  }
0x62: {  	_ =	shalt  }
0x63: {  	_ =	shalt  }
0x64: {  	_ =	shalt  }
0x65: {  	_ =	shalt  }
0x66: {  	_ =	shalt  }
0x67: {  	_ =	shalt  }
0x68: {  	_ =	shalt  }
0x69: {  	_ =	shalt  }
0x6a: {  	_ =	shalt  }
0x6b: {  	_ =	shalt  }
0x6c: {  	_ =	shalt  }
0x6d: {  	_ =	shalt  }
0x6e: {  	_ =	shalt  }
0x6f: {  	_ =	shalt  }
0x70: {  	_ =	shalt  }
0x71: {  	_ =	shalt  }
0x72: {  	_ =	shalt  }
0x73: {  	_ =	shalt  }
0x74: {  	_ =	shalt  }
0x75: {  	_ =	shalt  }
0x76: {  	_ =	shalt  }
0x77: {  	_ =	shalt  }
0x78: {  	_ =	shalt  }
0x79: {  	_ =	shalt  }
0x7a: {  	_ =	shalt  }
0x7b: {  	_ =	shalt  }
0x7c: {  	_ =	shalt  }
0x7d: {  	_ =	shalt  }
0x7e: {  	_ =	shalt  }
0x7f: {  	_ =	shalt  }
0x80: {  	_ =	shalt  }
0x81: {  	_ =	shalt  }
0x82: {  	_ =	shalt  }
0x83: {  	_ =	shalt  }
0x84: {  	_ =	shalt  }
0x85: {  	_ =	shalt  }
0x86: {  	_ =	shalt  }
0x87: {  	_ =	shalt  }
.Lfunc_end0:
.L_simem_size_0:
called_computation.2_lowered:
.L_overlay_start_0:
0x88: {  	s2 =	sld [smem:$0x3FD9]  }
0x89: {  	s3 =	sld [smem:$0x3FFE];
	_ =	sdelay $0x1  }
0x8a: {  	s1 =	srdreg.scid  }
0x8b: {  	s0 =	sand.u32 $0x1, s1  }
0x8c: {  	s17 =	sshll.u32 s0, $0xA;
	s2 =	sadd.s32 s3, s2  }
0x8d: {  	s2 =	sadd.s32 s2, s17  }
0x8e: {  	[smem:$0x3FC2] =	sst s2  }
0x8f: {  	_ = 	snop  }
0x90: {  	s2 =	sld [smem:$0x3FD0];
	(tm) =	ssettm $0x1  }
0x91: {  	s18 =	sld [smem:$0x3FFB];
	_ =	sdelay $0x3  }
0x92: {  	_ =	strace s18  }
0x93: {  	s3 =	sld [smem:$0x3FFC];
	_ =	sdelay $0x3  }
0x94: {  	_ =	strace s3  }
0x95: {  	s3 =	sld [smem:$0x3FFD];
	_ =	sdelay $0x3  }
0x96: {  	_ =	strace s3  }
0x97: {  	_ =	strace $0x8FFFFFFF  }
0x98: {  	s19 =	sld [smem:$0x3FDB];
	_ =	sdelay $0x1  }
0x99: {  	s4 =	simm.s32 $_scs_section_size  }
0x9a: {  	s5 =	simm.s32 $_size__tile_overlayer_lowered;
	s6 =	simm.s32 $_tile_overlayer_lowered  }
0x9b: {  	s22 =	simm.s32 $0x1BFF;
	s21 =	sshll.u32 s6, $0x1;
	s3 =	sadd.s32 s4, s19  }
0x9c: {  	s7 =	simm.s32 $0x0;
	s20 =	sshll.u32 s5, $0x1;
	s5 =	sadd.s32 s21, s3  }
0x9d: {  	[timem:s7], [sflag:s22] =	dma.local [hbm:s5], s20  }
0x9e: {  	_ =	swait.ge [sflag:s22], s20  }
0x9f: {  	s4 =	ssub.s32 $0x0, s20;
	[sflag:s22] =	ssyncset.done $0x0  }
0xa0: {  	[sflag:s22] =	ssyncadd.s32 s4;
	_ =	sdelay $0x1  }
0xa1: {  	s23 =	simm.s32 $0x1B8B  }
0xa2: {  	_ =	swait.ge [sflag:s23], $0x1  }
0xa3: {  	[sflag:s23] =	ssyncset.done $0x0  }
0xa4: {  	s25 =	simm.s32 $0x1B8E;
	s24 =	sld [smem:$0x3FFE];
	[sflag:s23] =	ssyncadd.s32 $0xFFFFFFFF  }
0xa5: {  	s26 =	simm.s32 $execute0_lowered;
	[smem:$0x3FD2] =	sst s25  }
0xa6: {  	s5 =	sshll.u32 s26, $0x1;
	_ =	strace $0x8000004C;
	[dreg:$0x1] =	wrdreg $0xFFFFFFFF  }
0xa7: {  	s28 =	simm.s32 $_size_execute0_lowered;
	s3 =	sadd.s32 s3, s5;
	[dreg:$0x0] =	wrdreg $0x0  }
0xa8: {  	s5 =	sshll.u32 s28, $0x1;
	[dreg:$0x2] =	wrdreg s3  }
0xa9: {  	[dreg:$0x3] =	wrdreg s5  }
0xaa: {  	[dreg:$0x4] =	wrdreg $0xC0  }
0xab: {  	_ =	task [dreg:s7], $0x5FFFF  }
0xac: {  	[dreg:$0x1] =	wrdreg $0xFFFFFFFF  }
0xad: {  	[dreg:$0x0] =	wrdreg $0x60  }
0xae: {  	[dreg:$0x2] =	wrdreg s24  }
0xaf: {  	[dreg:$0x3] =	wrdreg s2  }
0xb0: {  	[dreg:$0x4] =	wrdreg $0x41000  }
0xb1: {  	[dreg:$0x5] =	wrdreg $0x9  }
0xb2: {  	_ =	task.clear_ibuf [dreg:s7], $0x6FFFF;
	_ =	strace $0x9000004C  }
0xb3: {  	s29 =	simm.s32 $0x9;
	_ =	strace $0x8000004E  }
0xb4: {  	_ =	swait.ge [sflag:s29], $0x1  }
0xb5: {  	[sflag:s29] =	ssyncadd.s32 $0xFFFFFFFF  }
0xb6: {  	_ =	strace $0x9000004E  }
0xb7: {  	_ =	sfence  }
0xb8: {  	s30 =	sld [smem:$0x0];
	_ =	sdelay $0x2  }
0xb9: {  	s31 =	sshll.u32 s1, $0xD;
	s1 =	sshrl.u32 s1, $0x2  }
0xba: {  	s3 =	sand.u32 $0x4000, s31;
	s1 =	sadd.s32 s1, s30  }
0xbb: {  	s0 =	sor.u32 s3, s0;
	s1 =	sshll.u32 s1, $0x11  }
0xbc: {  	s0 =	sor.u32 s1, s0  }
0xbd: {  	s0 =	sadd.s32 $0x8F2B, s0  }
0xbe: {  	[sflag:s0] =	ssyncadd.remote.s32 $0x1  }
0xbf: {  	_ =	sfence.sel $0xFFFF  }
0xc0: {  	[dreg:$0x0] =	wrdreg $0xFFFFFFFF;
	(pc) =	sbr.abs _section_cstart, $3  }
0xc1: {  	[dreg:$0x1] =	wrdreg $0xFFFFFFFF  }
0xc2: {  	_ =	task.clear_ibuf [dreg:s7], $0x2FFFF;
	_ =	strace $0x9FFFFFFF  }
0xc3: {  	(tm) =	ssettm $0x7FFFFFFF  }
tec
execute0_lowered:
.L_overlay_start_1:
0x0: {  	(tag) =	ssettag $0x1  }
0x1: {  	s6 =	rddreg [dreg:$0x0]  }
0x2: {  	s8 =	rddreg [dreg:$0x1]  }
0x3: {  	s0 =	srdreg.scid;
	s1 =	stileid.u32  }
0x4: {  	s2 =	rddreg [dreg:$0x2];
	s3 =	simm.s32 $0x0;
	s7 =	smul.u32 $0x280, s1  }
0x5: {  	s15 =	simm.s32 $0x1;
	s16 =	simm.s32 $0x0;
	s12 =	smul.u32 $0x50000, s1  }
0x6: {  	s5 =	sand.u32 $0x1, s0;
	s0 =	rddreg [dreg:$0x3];
	s14 =	smul.u32 $0x4F0, s1  }
0x7: {  	[smem:$0x7FF] =	sst s3;
	s4 =	sadd.s32 $0xD000, s6;
	s9 =	smul.u32 $0x4F00, s5  }
0x8: {  	s13 =	sshll.u32 s1, $0x6;
	s10 =	smul.u32 $0x2800, s5;
	s30 =	ssub.s32 $0x2, s5  }
0x9: {  	_ =	strace $0x8000004D;
	s5 =	sadd.s32 $0x5D000, s6;
	s31 =	sshrl.u32 s30, $0x1  }
0xa: {  	s12 =	sshrl.u32 s12, $0x2;
	s11 =	sadd.s32 s9, s6;
	s7 =	sadd.s32 s7, s10  }
0xb: {  	s10 =	ssub.s32 s30, s31;
	s12 =	sadd.s32 s12, s2;
	s9 =	sadd.s32 s9, s8  }
0xc: {  	s7 =	sshll.u32 s7, $0x4;
	s11 =	sadd.s32 s14, s11;
	s8 =	smax.u32 s10, $0x1  }
0xd: {  	s9 =	sadd.s32 s14, s9;
	s14 =	simm.s32 $0x100;
	s7 =	sadd.s32 s7, s6  }
0xe: {  	s6 =	sor.u32 $0x1C02, s13;
	s10 =	sadd.s32 $0x3200, s11;
	s11 =	sshrl.u32 s12, $0x3  }
0xf: {  	s12 =	simm.s32 $0x2;
	s13 =	simm.s32 $0x80;
	s7 =	sadd.s32 $0x5F800, s7  }
.LBB2_1:
0x10: {  	[spmem:s11], [sflag:s6] =	dma.local [hbm:s5], $0x2800  }
0x11: {  	_ =	swait.ge [sflag:s12], $0x2800  }
0x12: {  	[sflag:s12] =	ssyncset.done $0x0  }
0x13: {  	[sflag:s12] =	ssyncadd.s32 $0xFFFFD800  }
0x14: {  	s17 =	sadd.s32 $0x0, s10;
	[bflag:$0x0] =	sbarrier.arrive $0xFFFF  }
0x15: {  	[tilespmem:s3], [sflag:$0x2] =	stream.linear.gather [hbm4b:s17+s3], $0x80, $0x38;
	[tilespmem:$0x18100] =	vst v63  }
0x16: {  	_ =	swait.ge [sflag:s12], $0x80  }
0x17: {  	[sflag:s12] =	ssyncset.done $0x0  }
0x18: {  	s31 =	sadd.s32 $0x0, s9;
	[sflag:s12] =	ssyncadd.s32 $0xFFFFFF80  }
0x19: {  	[tilespmem:s13], [sflag:$0x2] =	stream.linear.gather [hbm4b:s31+s3], $0x80, $0x38;
	[tilespmem:$0x18100] =	vst v63  }
0x1a: {  	_ =	swait.ge [sflag:s12], $0x80  }
0x1b: {  	[sflag:s12] =	ssyncset.done $0x0  }
0x1c: {  	[sflag:s12] =	ssyncadd.s32 $0xFFFFFF80  }
0x1d: {  	[tilespmem:s14], [sflag:$0x1] =	stream.indirect.gather [hbm4b:s4+s13], $0x80, s3, s13, $0xb8;
	[tilespmem:$0x18100] =	vst v63  }
0x1e: {  	_ =	swait.ge [sflag:s15], $0x4000  }
0x1f: {  	[sflag:s15] =	ssyncset.done $0x0  }
0x20: {  	[sflag:s15] =	ssyncadd.s32 $0xFFFFC000  }
0x21: {  	[spmem:s2] =	stream.indirect.scatter.add.f32 [tilespmem:s14], [sflag:$0x2], $0x80, s13, s13, $0xb8;
	[tilespmem:$0x18100] =	vst v63  }
0x22: {  	_ =	swait.ge [sflag:s12], $0x4000  }
0x23: {  	s18 =	simm.s32 $0x20;
	s17 =	simm.s32 $0x10;
	[sflag:s12] =	ssyncset.done $0x0  }
.LBB2_2:
0x24: {  	s19 =	sadd.s32 s17, s10  }
0x25: {  	[sflag:s12] =	ssyncadd.s32 $0xFFFFC000;
	s20 =	smov.u32 s18;
	s21 =	sadd.s32 $0x10, s18  }
0x26: {  	[tilespmem:s3], [sflag:$0x2] =	stream.linear.gather [hbm4b:s19+s3], $0x80, $0x38;
	[tilespmem:$0x18100] =	vst v63  }
0x27: {  	p0 =	sne.s32 s18, $0x4E0;
	_ =	swait.ge [sflag:s12], $0x80  }
0x28: {  	[sflag:s12] =	ssyncset.done $0x0  }
0x29: {  	s18 =	sadd.s32 s17, s9;
	s17 =	smov.u32 s20;
	[sflag:s12] =	ssyncadd.s32 $0xFFFFFF80  }
0x2a: {  	[tilespmem:s13], [sflag:$0x2] =	stream.linear.gather [hbm4b:s18+s3], $0x80, $0x38;
	[tilespmem:$0x18100] =	vst v63  }
0x2b: {  	_ =	swait.ge [sflag:s12], $0x80  }
0x2c: {  	[sflag:s12] =	ssyncset.done $0x0  }
0x2d: {  	[sflag:s12] =	ssyncadd.s32 $0xFFFFFF80  }
0x2e: {  	[tilespmem:s14], [sflag:$0x1] =	stream.indirect.gather [hbm4b:s4+s13], $0x80, s3, s13, $0xb8;
	[tilespmem:$0x18100] =	vst v63  }
0x2f: {  	_ =	swait.ge [sflag:s15], $0x4000  }
.Ltmp0:
0x30: {  	[sflag:s15] =	ssyncset.done $0x0;
	(pc) =	sbr.rel @p0 .LBB2_2-.Ltmp0, $4  }
0x31: {  	[sflag:s15] =	ssyncadd.s32 $0xFFFFC000  }
0x32: {  	[spmem:s2] =	stream.indirect.scatter.add.f32 [tilespmem:s14], [sflag:$0x2], $0x80, s13, s13, $0xb8;
	[tilespmem:$0x18100] =	vst v63  }
0x33: {  	_ =	swait.ge [sflag:s12], $0x4000  }
0x34: {  	s18 =	smov.u32 s21;
	[sflag:s12] =	ssyncset.done $0x0  }
0x35: {  	s18 =	sadd.s32 s17, s10;
	[sflag:s12] =	ssyncadd.s32 $0xFFFFC000  }
0x36: {  	[tilespmem:s3], [sflag:$0x2] =	stream.linear.gather [hbm4b:s18+s3], $0x80, $0x38;
	[tilespmem:$0x18100] =	vst v63  }
0x37: {  	_ =	swait.ge [sflag:s12], $0x80  }
0x38: {  	[sflag:s12] =	ssyncset.done $0x0  }
0x39: {  	s31 =	sadd.s32 s17, s9;
	[sflag:s12] =	ssyncadd.s32 $0xFFFFFF80  }
0x3a: {  	[tilespmem:s13], [sflag:$0x2] =	stream.linear.gather [hbm4b:s31+s3], $0x80, $0x38;
	[tilespmem:$0x18100] =	vst v63  }
0x3b: {  	_ =	swait.ge [sflag:s12], $0x80  }
0x3c: {  	[sflag:s12] =	ssyncset.done $0x0  }
0x3d: {  	[sflag:s12] =	ssyncadd.s32 $0xFFFFFF80  }
0x3e: {  	[tilespmem:s14], [sflag:$0x1] =	stream.indirect.gather [hbm4b:s4+s13], $0x80, s3, s13, $0xb8;
	[tilespmem:$0x18100] =	vst v63  }
0x3f: {  	_ =	swait.ge [sflag:s15], $0x4000  }
0x40: {  	[sflag:s15] =	ssyncset.done $0x0  }
0x41: {  	[sflag:s15] =	ssyncadd.s32 $0xFFFFC000  }
0x42: {  	[spmem:s2] =	stream.indirect.scatter.add.f32 [tilespmem:s14], [sflag:$0x2], $0x80, s13, s13, $0xb8;
	[tilespmem:$0x18100] =	vst v63  }
0x43: {  	_ =	swait.ge [sflag:s12], $0x4000  }
0x44: {  	s16 =	sadd.s32 $0x1, s16;
	[sflag:s12] =	ssyncset.done $0x0  }
0x45: {  	p0 =	sne.s32 s16, s8;
	[sflag:s12] =	ssyncadd.s32 $0xFFFFC000  }
.Ltmp1:
0x46: {  	[bflag:$0x0] =	sbarrier.arrive $0xFFFF;
	(pc) =	sbr.rel @p0 .LBB2_1-.Ltmp1, $4  }
0x47: {  	[hbm:s7], [sflag:s6] =	dma.local [spmem:s11], $0x2800  }
0x48: {  	_ =	swait.ge [sflag:s12], $0x2800  }
0x49: {  	[sflag:s12] =	ssyncset.done $0x0  }
0x4a: {  	[sflag:s12] =	ssyncadd.s32 $0xFFFFD800  }
0x4b: {  	_ =	sfence.sel $0x180000  }
0x4c: {  	[bflag:$0x0] =	sbarrier.arrive $0xFFFF  }
0x4d: {  	p0 =	sne.s32 s1, $0x0;
	_ =	strace $0x9000004D  }
0x4e: {  	s0 =	sadd.s32 @!p0 $0x100000, s0;
	[bflag:$0x2] =	sbarrier.arrive $0xFFFF  }
0x4f: {  	[sflag:s0] =	ssyncadd.tile.s32 @!p0 $0x1;
	_ =	shalt  }
.Lfunc_end2:
_tile_overlayer_lowered:
.L_overlay_start_2:
0x50: {  	(tag) =	ssettag $0x2  }
0x51: {  	s0 =	rddreg [dreg:$0x0];
	s2 =	stileid.u32  }
0x52: {  	s1 =	rddreg [dreg:$0x1];
	p0 =	sne.s32 s2, $0x0  }
0x53: {  	s3 =	rddreg [dreg:$0x2];
	[bflag:$0x3] =	sbarrier.arrive $0xFFFF;
	s2 =	simm.s32 @!p0 $0x1C02  }
0x54: {  	[timem:s3], [sflag:s2] =	dma.local @!p0 [hbm:s0], s1  }
0x55: {  	s0 =	simm.s32 @!p0 $0x2  }
0x56: {  	_ =	swait.ge @!p0 [sflag:s0], s1  }
0x57: {  	s1 =	ssub.s32 @!p0 $0x0, s1;
	[sflag:s0] =	ssyncset.done @!p0 $0x0  }
0x58: {  	[sflag:s0] =	ssyncadd.s32 @!p0 s1  }
0x59: {  	[bflag:$0x3] =	sbarrier.arrive $0xFFFF  }
0x5a: {  	_ =	shalt  }

// kernel: kernel.8.cloned.1.call-start
scs
__scs_entry_jumppad:
0x0: {  	(pc) =	sbr.rel $0x88, $3  }
0x1: {  	(tag) =	ssettag $0x0;
	lr =	simm.s32 $0x1  }
0x2: {  	[smem:$0x3F9B] =	sst lr;
	_ =	strace $0xD0000000  }
0x3: {  	_ = 	snop  }
0x4: {  	_ = 	snop  }
0x5: {  	_ = 	snop  }
0x6: {  	_ = 	snop  }
0x7: {  	_ = 	snop  }
__scs_overlays_trampoline_lowered:
0x8: {  	[smem:$0x3FAA] =	sst s0  }
0x9: {  	[smem:$0x3FAB] =	sst s1  }
0xa: {  	[smem:$0x3FAC] =	sst s2  }
0xb: {  	[smem:$0x3FAD] =	sst s3  }
0xc: {  	[smem:$0x3FAE] =	sst s4  }
0xd: {  	[smem:$0x3FAF] =	sst s5  }
0xe: {  	[smem:$0x3FB0] =	sst s6  }
0xf: {  	[smem:$0x3FB1] =	sst s7  }
0x10: {  	[smem:$0x3FB2] =	sst s8  }
0x11: {  	[smem:$0x3FB3] =	sst s9;
	s0 =	simm.s32 @!p0 $0x0  }
0x12: {  	s1 =	sld [smem:$0x3F99];
	s0 =	simm.s32 @p0 $0x1  }
0x13: {  	[smem:$0x3FB4] =	sst s0;
	s0 =	simm.s32 @!p1 $0x0  }
0x14: {  	s2 =	sld [smem:$0x3F98];
	s0 =	simm.s32 @p1 $0x1  }
0x15: {  	[smem:$0x3FB5] =	sst s0;
	s0 =	simm.s32 @!p2 $0x0  }
0x16: {  	s3 =	sld [smem:$0x3FDB];
	s0 =	simm.s32 @p2 $0x1  }
0x17: {  	s4 =	simm.s32 $0x1BF5;
	[smem:$0x3FB7] =	sst s0  }
0x18: {  	s0 =	sld [smem:$0x3F9A];
	_ =	swait.ge [sflag:s4], $0x0  }
0x19: {  	s7 =	sld [smem:$0x3F9B]  }
0x1a: {  	s8 =	sadd.s32 $0xFFFFE003, lr  }
0x1b: {  	s9 =	sadd.s32 $0xFFFFFEF7, lr;
	s5 =	simm.s32 $0xFFFFFFFF;
	p2 =	slt.u32 s8, $0xFFFFF086  }
0x1c: {  	p1 =	slt.u32 s9, $0xF7A;
	s5 =	simm.s32 @!p2 $0x0  }
0x1d: {  	s5 =	simm.s32 @p1 $0x1;
	p0 =	seq.s32 s7, s2  }
0x1e: {  	s7 =	smul.u32 @!p0 $0xF7A, s2;
	p2 =	seq.s32 @!p0 s5, $0x0  }
0x1f: {  	s9 =	smul.u32 $0xF7A, s1;
	s8 =	simm.s32 @!p0 $0x1BF5;
	p2 =	por !p2, p0  }
0x20: {  	[sflag:s8] =	ssyncset.s32 @!p0 $0xFFFFF086;
	s6 =	sadd.s32 @!p0 s3, s7;
	s7 =	simm.s32 @!p0 $0x108  }
0x21: {  	s3 =	sadd.s32 s3, s9;
	s6 =	sadd.s32 @!p0 $0x88, s6;
	s7 =	simm.s32 @p2 $0x1082  }
0x22: {  	[simem:s7], [sflag:s8] =	dma.local @!p0 [hbm:s6], $0xF7A  }
0x23: {  	s9 =	sor.u32 $0xD0000000, s2;
	s6 =	simm.s32 $0x108;
	_ =	swait.ge @!p0 [sflag:s8], $0x0  }
0x24: {  	s3 =	sadd.s32 $0x88, s3;
	s6 =	simm.s32 @!p1 $0x1082;
	[sflag:s4] =	ssyncset.s32 $0xFFFFF086  }
0x25: {  	[simem:s6], [sflag:s4] =	dma.local [hbm:s3], $0xF7A  }
0x26: {  	[smem:$0x3F9B] =	sst s1;
	(tag) =	ssettag s2;
	_ =	strace s9  }
0x27: {  	s1 =	sld [smem:$0x3FAB]  }
0x28: {  	s2 =	sld [smem:$0x3FAC]  }
0x29: {  	s4 =	sld [smem:$0x3FAE]  }
0x2a: {  	p0 =	seq.s32 s5, $0x0;
	s5 =	sld [smem:$0x3FAF]  }
0x2b: {  	s6 =	sld [smem:$0x3FB0]  }
0x2c: {  	s7 =	sld [smem:$0x3FB1]  }
0x2d: {  	s3 =	simm.s32 $0x108;
	s8 =	sld [smem:$0x3FB2]  }
0x2e: {  	s3 =	simm.s32 @!p0 $0x1082;
	s9 =	sld [smem:$0x3FB3]  }
0x2f: {  	lr =	sadd.s32 s0, s3;
	s0 =	sld [smem:$0x3FAA]  }
0x30: {  	s3 =	sld [smem:$0x3FAD]  }
0x31: {  	[smem:$0x3FB6] =	sst s10  }
0x32: {  	s10 =	sld [smem:$0x3FB4];
	_ =	sdelay $0x3  }
0x33: {  	p0 =	seq.s32 s10, $0x1;
	s10 =	sld [smem:$0x3FB6];
	_ =	sdelay $0x3  }
0x34: {  	[smem:$0x3FB6] =	sst s10  }
0x35: {  	s10 =	sld [smem:$0x3FB5];
	_ =	sdelay $0x3  }
0x36: {  	p1 =	seq.s32 s10, $0x1;
	s10 =	sld [smem:$0x3FB6];
	_ =	sdelay $0x3  }
0x37: {  	[smem:$0x3FB6] =	sst s10  }
0x38: {  	s10 =	sld [smem:$0x3FB7]  }
0x39: {  	_ = 	snop;
	(pc) =	sbr.ind lr, $3  }
0x3a: {  	_ = 	snop  }
0x3b: {  	_ = 	snop  }
0x3c: {  	p2 =	seq.s32 s10, $0x1;
	s10 =	sld [smem:$0x3FB6]  }
0x3d: {  	_ =	shalt  }
0x3e: {  	_ =	shalt  }
0x3f: {  	_ =	shalt  }
0x40: {  	_ =	shalt  }
0x41: {  	_ =	shalt  }
0x42: {  	_ =	shalt  }
0x43: {  	_ =	shalt  }
0x44: {  	_ =	shalt  }
0x45: {  	_ =	shalt  }
0x46: {  	_ =	shalt  }
0x47: {  	_ =	shalt  }
0x48: {  	_ =	shalt  }
0x49: {  	_ =	shalt  }
0x4a: {  	_ =	shalt  }
0x4b: {  	_ =	shalt  }
0x4c: {  	_ =	shalt  }
0x4d: {  	_ =	shalt  }
0x4e: {  	_ =	shalt  }
0x4f: {  	_ =	shalt  }
0x50: {  	_ =	shalt  }
0x51: {  	_ =	shalt  }
0x52: {  	_ =	shalt  }
0x53: {  	_ =	shalt  }
0x54: {  	_ =	shalt  }
0x55: {  	_ =	shalt  }
0x56: {  	_ =	shalt  }
0x57: {  	_ =	shalt  }
0x58: {  	_ =	shalt  }
0x59: {  	_ =	shalt  }
0x5a: {  	_ =	shalt  }
0x5b: {  	_ =	shalt  }
0x5c: {  	_ =	shalt  }
0x5d: {  	_ =	shalt  }
0x5e: {  	_ =	shalt  }
0x5f: {  	_ =	shalt  }
0x60: {  	_ =	shalt  }
0x61: {  	_ =	shalt  }
0x62: {  	_ =	shalt  }
0x63: {  	_ =	shalt  }
0x64: {  	_ =	shalt  }
0x65: {  	_ =	shalt  }
0x66: {  	_ =	shalt  }
0x67: {  	_ =	shalt  }
0x68: {  	_ =	shalt  }
0x69: {  	_ =	shalt  }
0x6a: {  	_ =	shalt  }
0x6b: {  	_ =	shalt  }
0x6c: {  	_ =	shalt  }
0x6d: {  	_ =	shalt  }
0x6e: {  	_ =	shalt  }
0x6f: {  	_ =	shalt  }
0x70: {  	_ =	shalt  }
0x71: {  	_ =	shalt  }
0x72: {  	_ =	shalt  }
0x73: {  	_ =	shalt  }
0x74: {  	_ =	shalt  }
0x75: {  	_ =	shalt  }
0x76: {  	_ =	shalt  }
0x77: {  	_ =	shalt  }
0x78: {  	_ =	shalt  }
0x79: {  	_ =	shalt  }
0x7a: {  	_ =	shalt  }
0x7b: {  	_ =	shalt  }
0x7c: {  	_ =	shalt  }
0x7d: {  	_ =	shalt  }
0x7e: {  	_ =	shalt  }
0x7f: {  	_ =	shalt  }
0x80: {  	_ =	shalt  }
0x81: {  	_ =	shalt  }
0x82: {  	_ =	shalt  }
0x83: {  	_ =	shalt  }
0x84: {  	_ =	shalt  }
0x85: {  	_ =	shalt  }
0x86: {  	_ =	shalt  }
0x87: {  	_ =	shalt  }
.Lfunc_end0:
.L_simem_size_0:
called_computation_lowered:
.L_overlay_start_0:
0x88: {  	s2 =	sld [smem:$0x3FD9]  }
0x89: {  	s3 =	sld [smem:$0x3FFE];
	_ =	sdelay $0x1  }
0x8a: {  	s1 =	srdreg.scid  }
0x8b: {  	s0 =	sand.u32 $0x1, s1  }
0x8c: {  	s17 =	sshll.u32 s0, $0xA;
	s2 =	sadd.s32 s3, s2  }
0x8d: {  	s2 =	sadd.s32 s2, s17  }
0x8e: {  	[smem:$0x3FC2] =	sst s2  }
0x8f: {  	_ = 	snop  }
0x90: {  	s2 =	sld [smem:$0x3FD0];
	(tm) =	ssettm $0x1  }
0x91: {  	s18 =	sld [smem:$0x3FFB];
	_ =	sdelay $0x3  }
0x92: {  	_ =	strace s18  }
0x93: {  	s3 =	sld [smem:$0x3FFC];
	_ =	sdelay $0x3  }
0x94: {  	_ =	strace s3  }
0x95: {  	s3 =	sld [smem:$0x3FFD];
	_ =	sdelay $0x3  }
0x96: {  	_ =	strace s3  }
0x97: {  	_ =	strace $0x8FFFFFFF  }
0x98: {  	s19 =	sld [smem:$0x3FDB];
	_ =	sdelay $0x1  }
0x99: {  	s4 =	simm.s32 $_scs_section_size  }
0x9a: {  	s5 =	simm.s32 $_size__tile_overlayer_lowered;
	s6 =	simm.s32 $_tile_overlayer_lowered  }
0x9b: {  	s22 =	simm.s32 $0x1BFF;
	s21 =	sshll.u32 s6, $0x1;
	s3 =	sadd.s32 s4, s19  }
0x9c: {  	s7 =	simm.s32 $0x0;
	s20 =	sshll.u32 s5, $0x1;
	s5 =	sadd.s32 s21, s3  }
0x9d: {  	[timem:s7], [sflag:s22] =	dma.local [hbm:s5], s20  }
0x9e: {  	_ =	swait.ge [sflag:s22], s20  }
0x9f: {  	s4 =	ssub.s32 $0x0, s20;
	[sflag:s22] =	ssyncset.done $0x0  }
0xa0: {  	[sflag:s22] =	ssyncadd.s32 s4;
	_ =	sdelay $0x1  }
0xa1: {  	s23 =	simm.s32 $0x1B8B  }
0xa2: {  	_ =	swait.ge [sflag:s23], $0x1  }
0xa3: {  	[sflag:s23] =	ssyncset.done $0x0  }
0xa4: {  	s25 =	simm.s32 $0x1B8E;
	s24 =	sld [smem:$0x3FFE];
	[sflag:s23] =	ssyncadd.s32 $0xFFFFFFFF  }
0xa5: {  	s26 =	simm.s32 $execute0_lowered;
	[smem:$0x3FD2] =	sst s25  }
0xa6: {  	s5 =	sshll.u32 s26, $0x1;
	_ =	strace $0x80000046;
	[dreg:$0x1] =	wrdreg $0xFFFFFFFF  }
0xa7: {  	s28 =	simm.s32 $_size_execute0_lowered;
	s3 =	sadd.s32 s3, s5;
	[dreg:$0x0] =	wrdreg $0x0  }
0xa8: {  	s5 =	sshll.u32 s28, $0x1;
	[dreg:$0x2] =	wrdreg s3  }
0xa9: {  	[dreg:$0x3] =	wrdreg s5  }
0xaa: {  	[dreg:$0x4] =	wrdreg $0xC0  }
0xab: {  	_ =	task [dreg:s7], $0x5FFFF  }
0xac: {  	[dreg:$0x1] =	wrdreg $0xFFFFFFFF  }
0xad: {  	[dreg:$0x0] =	wrdreg $0x60  }
0xae: {  	[dreg:$0x2] =	wrdreg s2  }
0xaf: {  	[dreg:$0x3] =	wrdreg s24  }
0xb0: {  	[dreg:$0x4] =	wrdreg $0x1000  }
0xb1: {  	[dreg:$0x5] =	wrdreg $0x9  }
0xb2: {  	_ =	task.clear_ibuf [dreg:s7], $0x6FFFF;
	_ =	strace $0x90000046  }
0xb3: {  	s29 =	simm.s32 $0x9;
	_ =	strace $0x80000048  }
0xb4: {  	_ =	swait.ge [sflag:s29], $0x1  }
0xb5: {  	[sflag:s29] =	ssyncadd.s32 $0xFFFFFFFF  }
0xb6: {  	_ =	strace $0x90000048  }
0xb7: {  	_ =	sfence  }
0xb8: {  	s30 =	sld [smem:$0x0];
	_ =	sdelay $0x2  }
0xb9: {  	s31 =	sshll.u32 s1, $0xD;
	s1 =	sshrl.u32 s1, $0x2  }
0xba: {  	s3 =	sand.u32 $0x4000, s31;
	s1 =	sadd.s32 s1, s30  }
0xbb: {  	s0 =	sor.u32 s3, s0;
	s1 =	sshll.u32 s1, $0x11  }
0xbc: {  	s0 =	sor.u32 s1, s0  }
0xbd: {  	s0 =	sadd.s32 $0x8F2B, s0  }
0xbe: {  	[sflag:s0] =	ssyncadd.remote.s32 $0x1  }
0xbf: {  	_ =	sfence.sel $0xFFFF  }
0xc0: {  	[dreg:$0x0] =	wrdreg $0xFFFFFFFF;
	(pc) =	sbr.abs _section_cstart, $3  }
0xc1: {  	[dreg:$0x1] =	wrdreg $0xFFFFFFFF  }
0xc2: {  	_ =	task.clear_ibuf [dreg:s7], $0x2FFFF;
	_ =	strace $0x9FFFFFFF  }
0xc3: {  	(tm) =	ssettm $0x7FFFFFFF  }
tec
execute0_lowered:
.L_overlay_start_1:
0x0: {  	(tag) =	ssettag $0x1  }
0x1: {  	s7 =	rddreg [dreg:$0x0]  }
0x2: {  	s5 =	rddreg [dreg:$0x1];
	s1 =	srdreg.scid  }
0x3: {  	s0 =	stileid.u32;
	s2 =	rddreg [dreg:$0x2];
	s3 =	simm.s32 $0x0  }
0x4: {  	s6 =	sand.u32 $0x1, s1;
	s8 =	smul.u32 $0x280, s0;
	s1 =	rddreg [dreg:$0x3]  }
0x5: {  	[smem:$0x7FF] =	sst s3;
	s30 =	smul.u32 $0x4F0, s0  }
0x6: {  	s29 =	sshll.u32 s0, $0x6;
	s4 =	smul.u32 $0x2800, s6;
	s10 =	ssub.s32 $0x2, s6  }
0x7: {  	_ =	strace $0x80000047;
	s28 =	smul.u32 $0x4F00, s6;
	s11 =	sshrl.u32 s10, $0x1  }
0x8: {  	s12 =	sadd.s32 s8, s2;
	s9 =	sadd.s32 s8, s4;
	s4 =	sadd.s32 $0x2600, s5  }
0x9: {  	s10 =	ssub.s32 s10, s11;
	s31 =	sadd.s32 s28, s7;
	s11 =	simm.s32 $0x80  }
0xa: {  	s9 =	sshrl.u32 s9, $0x3;
	s7 =	smax.u32 s10, $0x1;
	s8 =	sadd.s32 s30, s31  }
0xb: {  	s10 =	simm.s32 $0x1;
	s9 =	sadd.s32 s9, s5;
	s5 =	sor.u32 $0x1C01, s29  }
0xc: {  	v0 =	vimm.f32 $1.000000000e+00;
	s6 =	sadd.s32 $0x2800, s9;
	s9 =	sshrl.u32 s12, $0x3;
	s12 =	simm.s32 $0x0  }
.LBB2_1:
0xd: {  	[tilespmem:$0x80] =	vst v0  }
0xe: {  	[tilespmem:$0x90] =	vst v0  }
0xf: {  	[tilespmem:$0xA0] =	vst v0  }
0x10: {  	[tilespmem:$0xB0] =	vst v0  }
0x11: {  	[tilespmem:$0xC0] =	vst v0  }
0x12: {  	[tilespmem:$0xD0] =	vst v0  }
0x13: {  	[tilespmem:$0xE0] =	vst v0  }
0x14: {  	[tilespmem:$0xF0] =	vst v0  }
0x15: {  	[spmem:s9], [sflag:s5] =	dma.local [hbm:s4], $0x50  }
0x16: {  	_ =	swait.ge [sflag:s10], $0x50  }
0x17: {  	[sflag:s10] =	ssyncset.done $0x0  }
0x18: {  	[sflag:s10] =	ssyncadd.s32 $0xFFFFFFB0  }
0x19: {  	s13 =	sadd.s32 $0x0, s8;
	[bflag:$0x0] =	sbarrier.arrive $0xFFFF  }
0x1a: {  	[tilespmem:s3], [sflag:$0x1] =	stream.linear.gather [hbm4b:s13+s3], $0x80, $0x38;
	[tilespmem:$0x380] =	vst v63  }
0x1b: {  	_ =	swait.ge [sflag:s10], $0x80  }
0x1c: {  	[sflag:s10] =	ssyncset.done $0x0  }
0x1d: {  	[sflag:s10] =	ssyncadd.s32 $0xFFFFFF80  }
0x1e: {  	[spmem:s2] =	stream.indirect.scatter.add.f32 [tilespmem:s11], [sflag:$0x1], $0x1, s3, s11, $0xb8;
	[tilespmem:$0x380] =	vst v63  }
0x1f: {  	_ =	swait.ge [sflag:s10], $0x80  }
0x20: {  	s14 =	simm.s32 $0x20;
	s13 =	simm.s32 $0x10;
	[sflag:s10] =	ssyncset.done $0x0  }
.LBB2_2:
0x21: {  	s15 =	sadd.s32 s13, s8  }
0x22: {  	[sflag:s10] =	ssyncadd.s32 $0xFFFFFF80;
	s13 =	smov.u32 s14;
	s16 =	sadd.s32 $0x10, s14  }
0x23: {  	[tilespmem:s3], [sflag:$0x1] =	stream.linear.gather [hbm4b:s15+s3], $0x80, $0x38;
	[tilespmem:$0x380] =	vst v63  }
0x24: {  	p0 =	sne.s32 s14, $0x4E0;
	_ =	swait.ge [sflag:s10], $0x80  }
.Ltmp0:
0x25: {  	[sflag:s10] =	ssyncset.done $0x0;
	(pc) =	sbr.rel @p0 .LBB2_2-.Ltmp0, $4  }
0x26: {  	[sflag:s10] =	ssyncadd.s32 $0xFFFFFF80  }
0x27: {  	[spmem:s2] =	stream.indirect.scatter.add.f32 [tilespmem:s11], [sflag:$0x1], $0x1, s3, s11, $0xb8;
	[tilespmem:$0x380] =	vst v63  }
0x28: {  	_ =	swait.ge [sflag:s10], $0x80  }
0x29: {  	s14 =	smov.u32 s16;
	[sflag:s10] =	ssyncset.done $0x0  }
0x2a: {  	s13 =	sadd.s32 s13, s8;
	[sflag:s10] =	ssyncadd.s32 $0xFFFFFF80  }
0x2b: {  	[tilespmem:s3], [sflag:$0x1] =	stream.linear.gather [hbm4b:s13+s3], $0x80, $0x38;
	[tilespmem:$0x380] =	vst v63  }
0x2c: {  	_ =	swait.ge [sflag:s10], $0x80  }
0x2d: {  	[sflag:s10] =	ssyncset.done $0x0  }
0x2e: {  	[sflag:s10] =	ssyncadd.s32 $0xFFFFFF80  }
0x2f: {  	[spmem:s2] =	stream.indirect.scatter.add.f32 [tilespmem:s11], [sflag:$0x1], $0x1, s3, s11, $0xb8;
	[tilespmem:$0x380] =	vst v63  }
0x30: {  	_ =	swait.ge [sflag:s10], $0x80  }
0x31: {  	s12 =	sadd.s32 $0x1, s12;
	[sflag:s10] =	ssyncset.done $0x0  }
0x32: {  	p0 =	sne.s32 s12, s7;
	[sflag:s10] =	ssyncadd.s32 $0xFFFFFF80  }
.Ltmp1:
0x33: {  	[bflag:$0x0] =	sbarrier.arrive $0xFFFF;
	(pc) =	sbr.rel @p0 .LBB2_1-.Ltmp1, $4  }
0x34: {  	[hbm:s6], [sflag:s5] =	dma.local [spmem:s9], $0x50  }
0x35: {  	_ =	swait.ge [sflag:s10], $0x50  }
0x36: {  	[sflag:s10] =	ssyncset.done $0x0  }
0x37: {  	[sflag:s10] =	ssyncadd.s32 $0xFFFFFFB0  }
0x38: {  	_ =	sfence.sel $0x180000  }
0x39: {  	[bflag:$0x0] =	sbarrier.arrive $0xFFFF  }
0x3a: {  	p0 =	sne.s32 s0, $0x0;
	_ =	strace $0x90000047  }
0x3b: {  	s0 =	sadd.s32 @!p0 $0x100000, s1;
	[bflag:$0x2] =	sbarrier.arrive $0xFFFF  }
0x3c: {  	[sflag:s0] =	ssyncadd.tile.s32 @!p0 $0x1;
	_ =	shalt  }
.Lfunc_end2:
_tile_overlayer_lowered:
.L_overlay_start_2:
0x3d: {  	(tag) =	ssettag $0x2  }
0x3e: {  	s0 =	rddreg [dreg:$0x0];
	s2 =	stileid.u32  }
0x3f: {  	s1 =	rddreg [dreg:$0x1];
	p0 =	sne.s32 s2, $0x0  }
0x40: {  	s3 =	rddreg [dreg:$0x2];
	[bflag:$0x3] =	sbarrier.arrive $0xFFFF;
	s2 =	simm.s32 @!p0 $0x1C01  }
0x41: {  	[timem:s3], [sflag:s2] =	dma.local @!p0 [hbm:s0], s1  }
0x42: {  	s0 =	simm.s32 @!p0 $0x1  }
0x43: {  	_ =	swait.ge @!p0 [sflag:s0], s1  }
0x44: {  	s1 =	ssub.s32 @!p0 $0x0, s1;
	[sflag:s0] =	ssyncset.done @!p0 $0x0  }
0x45: {  	[sflag:s0] =	ssyncadd.s32 @!p0 s1  }
0x46: {  	[bflag:$0x3] =	sbarrier.arrive $0xFFFF  }
0x47: {  	_ =	shalt  }

</sc_bundles>
